<compile_context>
chip_gen: v7x
topology: tpu7x:2x2x1
jax: 0.10.2.dev20260603
libtpu: 0.0.44.dev20260713+nightly
codegen_flags: <defaults>
</compile_context>

<pallas_src>
import jax
import jax.numpy as jnp
from jax import lax
from jax.experimental import pallas as pl
from jax.experimental.pallas import tpu as pltpu
from jax.experimental.pallas import tpu_sc as plsc

N = 10000
E = 320000
D_IN = 128
DH = 64
NP = 10240
RPT = NP // 16
CH = 128
KSUB = 5
KA = 160
NG = KA // KSUB
EA = 16 * KA * CH
KD = 80



def _sc_deg_body(dstd, ones_hbm, zeros_hbm, degacc_out, idx_v, ones_v, zrow_v, acc):
    c = lax.axis_index("c")
    s = lax.axis_index("s")
    w = s * 2 + c
    pltpu.sync_copy(dstd.at[w], idx_v)
    pltpu.sync_copy(ones_hbm, ones_v)
    pltpu.sync_copy(zeros_hbm, zrow_v)
    pltpu.sync_copy(zrow_v, acc.at[pl.ds(s * RPT, RPT)])
    plsc.subcore_barrier()

    def chunk(j, carry):
        pltpu.sync_copy(ones_v, acc.at[idx_v.at[j]], add=True)
        return carry

    lax.fori_loop(0, KD, chunk, 0)
    plsc.subcore_barrier()
    pltpu.sync_copy(acc.at[pl.ds(s * RPT, RPT)],
                    degacc_out.at[c, pl.ds(s * RPT, RPT)])


GA = 256
GB = KSUB * CH - GA


def _sc_agg_body(table, srcd, dstda, dstdb, zeros_hbm, out, src_v, dsta_v,
                 dstb_v, gbufa, gbufb, acc, semb, sema):
    c = lax.axis_index("c")
    s = lax.axis_index("s")
    pltpu.sync_copy(srcd.at[c, s], src_v)
    pltpu.sync_copy(dstda.at[s], dsta_v)
    pltpu.sync_copy(dstdb.at[s], dstb_v)
    pltpu.sync_copy(zeros_hbm, acc.at[pl.ds(s * RPT, RPT)])
    plsc.subcore_barrier()

    def group(g, carry):
        cpb = pltpu.async_copy(table.at[src_v.at[g, pl.ds(GA, GB)]],
                               gbufb, semb)
        pltpu.sync_copy(table.at[src_v.at[g, pl.ds(0, GA)]], gbufa)
        cpa = pltpu.async_copy(gbufa, acc.at[dsta_v.at[g]], sema, add=True)
        cpb.wait()
        pltpu.sync_copy(gbufb, acc.at[dstb_v.at[g]], add=True)
        cpa.wait()
        return carry

    lax.fori_loop(0, NG, group, 0)
    plsc.subcore_barrier()
    pltpu.sync_copy(acc.at[pl.ds(s * RPT, RPT)],
                    out.at[c, pl.ds(s * RPT, RPT)])


def _make_sc_deg():
    return pl.kernel(
        _sc_deg_body,
        out_type=jax.ShapeDtypeStruct((2, NP, 16), jnp.float32),
        mesh=plsc.VectorSubcoreMesh(core_axis_name="c", subcore_axis_name="s"),
        compiler_params=pltpu.CompilerParams(use_tc_tiling_on_sc=False),
        scratch_types=[
            pltpu.VMEM((KD, CH), jnp.int32),
            pltpu.VMEM((CH, 16), jnp.float32),
            pltpu.VMEM((RPT, 16), jnp.float32),
            pltpu.VMEM_SHARED((NP, 16), jnp.float32),
        ],
    )


def _make_sc_agg():
    return pl.kernel(
        _sc_agg_body,
        out_type=jax.ShapeDtypeStruct((2, NP, DH), jnp.float32),
        mesh=plsc.VectorSubcoreMesh(core_axis_name="c", subcore_axis_name="s"),
        compiler_params=pltpu.CompilerParams(use_tc_tiling_on_sc=False),
        scratch_types=[
            pltpu.VMEM((NG, KSUB * CH), jnp.int32),
            pltpu.VMEM((NG, GA), jnp.int32),
            pltpu.VMEM((NG, GB), jnp.int32),
            pltpu.VMEM((GA, DH), jnp.float32),
            pltpu.VMEM((GB, DH), jnp.float32),
            pltpu.VMEM_SHARED((NP, DH), jnp.float32),
            pltpu.SemaphoreType.DMA,
            pltpu.SemaphoreType.DMA,
        ],
    )



def _dis(da_ref):
    deg = da_ref[0][:, 0:1] + da_ref[1][:, 0:1] + 1.0
    return lax.rsqrt(deg)


def _tc_scale_body(da_ref, xp_ref, xs_ref):
    dis = _dis(da_ref)
    xsb = xp_ref[...] * dis
    xs_ref[0] = xsb[:, :DH]
    xs_ref[1] = xsb[:, DH:]


def _tc_hidden_body(agg_ref, xs_ref, da_ref, w1_ref, b1_ref, hs_ref):
    dis = _dis(da_ref)
    ax = jnp.concatenate([agg_ref[0] + xs_ref[0], agg_ref[1] + xs_ref[1]],
                         axis=1) * dis
    h = jnp.maximum(
        jnp.dot(ax, w1_ref[...], preferred_element_type=jnp.float32)
        + b1_ref[...], 0.0)
    hs = h * dis
    hs_ref[0] = hs[:, :DH]
    hs_ref[1] = hs[:, DH:]


def _tc_out_body(agg_ref, hs_ref, da_ref, wmu_ref, bmu_ref, wls_ref, bls_ref,
                 mu_ref, ls_ref):
    dis = _dis(da_ref)
    ah = jnp.concatenate([agg_ref[0] + hs_ref[0], agg_ref[1] + hs_ref[1]],
                         axis=1) * dis
    mu_ref[...] = jnp.dot(ah, wmu_ref[...],
                          preferred_element_type=jnp.float32) + bmu_ref[...]
    ls_ref[...] = jnp.dot(ah, wls_ref[...],
                          preferred_element_type=jnp.float32) + bls_ref[...]


_B = 2048
_G = NP // _B


def _spec3(b, d):
    return pl.BlockSpec((2, b, d), lambda i: (0, i, 0))


def _make_tc_scale():
    return pl.pallas_call(
        _tc_scale_body,
        grid=(_G,),
        in_specs=[_spec3(_B, 16), pl.BlockSpec((_B, D_IN), lambda i: (i, 0))],
        out_specs=_spec3(_B, DH),
        out_shape=jax.ShapeDtypeStruct((2, NP, DH), jnp.float32),
    )


def _make_tc_hidden():
    return pl.pallas_call(
        _tc_hidden_body,
        grid=(_G,),
        in_specs=[_spec3(_B, DH), _spec3(_B, DH), _spec3(_B, 16),
                  pl.BlockSpec((D_IN, D_IN), lambda i: (0, 0)),
                  pl.BlockSpec((1, D_IN), lambda i: (0, 0))],
        out_specs=_spec3(_B, DH),
        out_shape=jax.ShapeDtypeStruct((2, NP, DH), jnp.float32),
    )


def _make_tc_out():
    return pl.pallas_call(
        _tc_out_body,
        grid=(_G,),
        in_specs=[_spec3(_B, DH), _spec3(_B, DH), _spec3(_B, 16),
                  pl.BlockSpec((D_IN, DH), lambda i: (0, 0)),
                  pl.BlockSpec((1, DH), lambda i: (0, 0)),
                  pl.BlockSpec((D_IN, DH), lambda i: (0, 0)),
                  pl.BlockSpec((1, DH), lambda i: (0, 0))],
        out_specs=[pl.BlockSpec((_B, DH), lambda i: (i, 0)),
                   pl.BlockSpec((_B, DH), lambda i: (i, 0))],
        out_shape=[jax.ShapeDtypeStruct((NP, DH), jnp.float32),
                   jax.ShapeDtypeStruct((NP, DH), jnp.float32)],
    )



def kernel(x, edge_index, W1, b1, Wmu, bmu, Wls, bls):
    f32 = jnp.float32
    src = edge_index[0]
    dst = edge_index[1]
    xp = jnp.zeros((NP, D_IN), f32).at[:N].set(x)
    pad_a = jnp.full((EA - E,), N, jnp.int32)
    srcd = jnp.concatenate([src, pad_a]).reshape(16, NG, KSUB * CH)
    srcd2 = jnp.stack([srcd, srcd + NP])
    dstd = jnp.concatenate([dst, pad_a]).reshape(16, NG, KSUB * CH)
    dstda = dstd[:, :, :GA]
    dstdb = dstd[:, :, GA:]
    dstd32 = dstd.reshape(32, KD, CH)
    ones16 = jnp.ones((CH, 16), f32)
    zeros16 = jnp.zeros((RPT, 16), f32)
    zeros64 = jnp.zeros((RPT, DH), f32)

    sc_deg = _make_sc_deg()
    sc_agg = _make_sc_agg()
    tc_scale = _make_tc_scale()
    tc_hidden = _make_tc_hidden()
    tc_out = _make_tc_out()

    degacc = sc_deg(dstd32, ones16, zeros16)
    xs = tc_scale(degacc, xp)
    agg1 = sc_agg(xs.reshape(2 * NP, DH), srcd2, dstda, dstdb, zeros64)
    hs = tc_hidden(agg1, xs, degacc, W1, b1.reshape(1, D_IN))
    agg2 = sc_agg(hs.reshape(2 * NP, DH), srcd2, dstda, dstdb, zeros64)
    mu, ls = tc_out(agg2, hs, degacc, Wmu, bmu.reshape(1, DH),
                    Wls, bls.reshape(1, DH))
    mu = mu[:N]
    ls = ls[:N]
    return (mu, mu, ls)

# --- scband reference (transcript-rebuilt; emitter-appended) ---
"""Pipeline reference for scband-dvgae-89627377533235 (READ-ONLY COPY).

The authoritative reference and input builder live on the scoring server;
editing this copy changes nothing except your own understanding.
"""

import jax, jax.numpy as jnp
import numpy as np

N = 10000
E = 320000
D_IN = 128
D_H = 128
D_OUT = 64


def setup_inputs(seed: int = 0) -> dict:
    key = jax.random.key(seed)
    ks = jax.random.split(key, 8)
    x = jax.random.normal(ks[0], (N, D_IN), dtype=jnp.float32)
    edge_index = jax.random.randint(ks[1], (2, E), 0, N, dtype=jnp.int32)
    W1 = jax.random.normal(ks[2], (D_IN, D_H), dtype=jnp.float32) * (1.0 / np.sqrt(D_IN))
    b1 = jnp.zeros((D_H,), dtype=jnp.float32)
    Wmu = jax.random.normal(ks[3], (D_H, D_OUT), dtype=jnp.float32) * (1.0 / np.sqrt(D_H))
    bmu = jnp.zeros((D_OUT,), dtype=jnp.float32)
    Wls = jax.random.normal(ks[4], (D_H, D_OUT), dtype=jnp.float32) * (1.0 / np.sqrt(D_H))
    bls = jnp.zeros((D_OUT,), dtype=jnp.float32)
    return {"x": x, "edge_index": edge_index, "W1": W1, "b1": b1,
            "Wmu": Wmu, "bmu": bmu, "Wls": Wls, "bls": bls}


def _gcn_conv(x, src, dst, norm, W, b, num_nodes):
    # GCNConv: linear transform, normalized scatter-add aggregation, bias
    h = x @ W
    msg = h[src] * norm[:, None]
    out = jnp.zeros((num_nodes, W.shape[1]), dtype=x.dtype).at[dst].add(msg)
    return out + b


def reference(x, edge_index, W1, b1, Wmu, bmu, Wls, bls):
    num_nodes = x.shape[0]
    # add self-loops (shared across all GCN layers)
    loop = jnp.arange(num_nodes, dtype=edge_index.dtype)
    src = jnp.concatenate([edge_index[0], loop])
    dst = jnp.concatenate([edge_index[1], loop])
    deg = jnp.zeros((num_nodes,), dtype=x.dtype).at[dst].add(1.0)
    deg_inv_sqrt = jnp.where(deg > 0, deg ** -0.5, 0.0)
    norm = deg_inv_sqrt[src] * deg_inv_sqrt[dst]
    # GCNEncoder (eval mode: dropout is identity)
    h = _gcn_conv(x, src, dst, norm, W1, b1, num_nodes)
    h = jax.nn.relu(h)
    mu = _gcn_conv(h, src, dst, norm, Wmu, bmu, num_nodes)
    logstd = _gcn_conv(h, src, dst, norm, Wls, bls, num_nodes)
    # reparametrize in eval mode returns mu
    z = mu
    return (z, mu, logstd)

if __name__ == "__main__":
    import jax
    _d = setup_inputs()
    print(jax.jit(kernel)(*tuple(_d.values())))

</pallas_src>

<mosaic_0001>
#map = affine_map<(d0, d1) -> (0, 0)>
#map1 = affine_map<(d0, d1) -> (0, 0, 0, 0)>
#map2 = affine_map<(d0, d1) -> (0, 0, 0)>
module attributes {stable_mosaic.version = 14 : i64} {
  func.func @_sc_agg_body(%arg0: i32, %arg1: i32, %arg2: memref<20480x64xf32, #tpu.memory_space<hbm>>, %arg3: memref<2x16x32x640xi32, #tpu.memory_space<hbm>>, %arg4: memref<16x32x256xi32, #tpu.memory_space<hbm>>, %arg5: memref<16x32x384xi32, #tpu.memory_space<hbm>>, %arg6: memref<640x64xf32, #tpu.memory_space<hbm>>, %arg7: memref<2x10240x64xf32, #tpu.memory_space<hbm>>, %arg8: memref<32x640xi32, #tpu.memory_space<vmem>>, %arg9: memref<32x256xi32, #tpu.memory_space<vmem>>, %arg10: memref<32x384xi32, #tpu.memory_space<vmem>>, %arg11: memref<256x64xf32, #tpu.memory_space<vmem>>, %arg12: memref<384x64xf32, #tpu.memory_space<vmem>>, %arg13: memref<10240x64xf32, #tpu.memory_space<vmem_shared>>, %arg14: memref<!tpu.dma_semaphore, #tpu.memory_space<semaphore_mem>>, %arg15: memref<!tpu.dma_semaphore, #tpu.memory_space<semaphore_mem>>) attributes {dimension_semantics = [#tpu.dimension_semantics<core_parallel>, #tpu.dimension_semantics<subcore_parallel>], iteration_bounds = array<i64: 2, 16>, scalar_prefetch = 0 : i64, scratch_operands = 8 : i64, tpu.core_type = #tpu.core_type<sc_vector_subcore>, window_params = [{transform_indices = #map}, {transform_indices = #map1}, {transform_indices = #map2}, {transform_indices = #map2}, {transform_indices = #map}, {transform_indices = #map2}]} {
    "tpu.region"() ({
      %run_scoped3A = tpu.sem_alloc : memref<!tpu.dma_semaphore, #tpu.memory_space<semaphore_mem>>
      %dma_start3A = arith.constant 0 : i32
      %dma_start3A_11 = arith.constant 0 : i32
      %dma_start3A_12 = tpu.memref_slice %arg3[%arg0, %arg1, %dma_start3A, %dma_start3A_11] : memref<2x16x32x640xi32, #tpu.memory_space<hbm>> -> memref<1x1x32x640xi32, #tpu.memory_space<hbm>>
      %dma_start3A_13 = tpu.memref_squeeze %dma_start3A_12 : memref<1x1x32x640xi32, #tpu.memory_space<hbm>> -> memref<32x640xi32, #tpu.memory_space<hbm>>
      %dma_start3A_14 = arith.constant 0 : i32
      %dma_start3A_15 = arith.constant 0 : i32
      %dma_start3A_16 = tpu.memref_slice %arg3[%arg0, %arg1, %dma_start3A_14, %dma_start3A_15] : memref<2x16x32x640xi32, #tpu.memory_space<hbm>> -> memref<1x1x32x640xi32, #tpu.memory_space<hbm>>
      %dma_start3A_17 = tpu.memref_squeeze %dma_start3A_16 : memref<1x1x32x640xi32, #tpu.memory_space<hbm>> -> memref<32x640xi32, #tpu.memory_space<hbm>>
      tpu.enqueue_dma source(%dma_start3A_17 : memref<32x640xi32, #tpu.memory_space<hbm>>) target(%arg8 : memref<32x640xi32, #tpu.memory_space<vmem>>) target_semaphore(%run_scoped3A : memref<!tpu.dma_semaphore, #tpu.memory_space<semaphore_mem>>)
      %dma_wait3A = arith.constant 0 : i32
      %dma_wait3A_18 = arith.constant 0 : i32
      %dma_wait3A_19 = tpu.memref_slice %arg3[%arg0, %arg1, %dma_wait3A, %dma_wait3A_18] : memref<2x16x32x640xi32, #tpu.memory_space<hbm>> -> memref<1x1x32x640xi32, #tpu.memory_space<hbm>>
      %dma_wait3A_20 = tpu.memref_squeeze %dma_wait3A_19 : memref<1x1x32x640xi32, #tpu.memory_space<hbm>> -> memref<32x640xi32, #tpu.memory_space<hbm>>
      %dma_wait3A_21 = arith.constant 0 : i32
      %dma_wait3A_22 = arith.constant 0 : i32
      %dma_wait3A_23 = tpu.memref_slice %arg3[%arg0, %arg1, %dma_wait3A_21, %dma_wait3A_22] : memref<2x16x32x640xi32, #tpu.memory_space<hbm>> -> memref<1x1x32x640xi32, #tpu.memory_space<hbm>>
      %dma_wait3A_24 = tpu.memref_squeeze %dma_wait3A_23 : memref<1x1x32x640xi32, #tpu.memory_space<hbm>> -> memref<32x640xi32, #tpu.memory_space<hbm>>
      tpu.wait_dma2 semaphore(%run_scoped3A : memref<!tpu.dma_semaphore, #tpu.memory_space<semaphore_mem>>) src(%dma_wait3A_24 : memref<32x640xi32, #tpu.memory_space<hbm>>) dst(%arg8 : memref<32x640xi32, #tpu.memory_space<vmem>>)
      tpu.yield
    }) : () -> ()
    "tpu.region"() ({
      %run_scoped3A = tpu.sem_alloc : memref<!tpu.dma_semaphore, #tpu.memory_space<semaphore_mem>>
      %dma_start3A = arith.constant 0 : i32
      %dma_start3A_11 = arith.constant 0 : i32
      %dma_start3A_12 = tpu.memref_slice %arg4[%arg1, %dma_start3A, %dma_start3A_11] : memref<16x32x256xi32, #tpu.memory_space<hbm>> -> memref<1x32x256xi32, #tpu.memory_space<hbm>>
      %dma_start3A_13 = tpu.memref_squeeze %dma_start3A_12 : memref<1x32x256xi32, #tpu.memory_space<hbm>> -> memref<32x256xi32, #tpu.memory_space<hbm>>
      %dma_start3A_14 = arith.constant 0 : i32
      %dma_start3A_15 = arith.constant 0 : i32
      %dma_start3A_16 = tpu.memref_slice %arg4[%arg1, %dma_start3A_14, %dma_start3A_15] : memref<16x32x256xi32, #tpu.memory_space<hbm>> -> memref<1x32x256xi32, #tpu.memory_space<hbm>>
      %dma_start3A_17 = tpu.memref_squeeze %dma_start3A_16 : memref<1x32x256xi32, #tpu.memory_space<hbm>> -> memref<32x256xi32, #tpu.memory_space<hbm>>
      tpu.enqueue_dma source(%dma_start3A_17 : memref<32x256xi32, #tpu.memory_space<hbm>>) target(%arg9 : memref<32x256xi32, #tpu.memory_space<vmem>>) target_semaphore(%run_scoped3A : memref<!tpu.dma_semaphore, #tpu.memory_space<semaphore_mem>>)
      %dma_wait3A = arith.constant 0 : i32
      %dma_wait3A_18 = arith.constant 0 : i32
      %dma_wait3A_19 = tpu.memref_slice %arg4[%arg1, %dma_wait3A, %dma_wait3A_18] : memref<16x32x256xi32, #tpu.memory_space<hbm>> -> memref<1x32x256xi32, #tpu.memory_space<hbm>>
      %dma_wait3A_20 = tpu.memref_squeeze %dma_wait3A_19 : memref<1x32x256xi32, #tpu.memory_space<hbm>> -> memref<32x256xi32, #tpu.memory_space<hbm>>
      %dma_wait3A_21 = arith.constant 0 : i32
      %dma_wait3A_22 = arith.constant 0 : i32
      %dma_wait3A_23 = tpu.memref_slice %arg4[%arg1, %dma_wait3A_21, %dma_wait3A_22] : memref<16x32x256xi32, #tpu.memory_space<hbm>> -> memref<1x32x256xi32, #tpu.memory_space<hbm>>
      %dma_wait3A_24 = tpu.memref_squeeze %dma_wait3A_23 : memref<1x32x256xi32, #tpu.memory_space<hbm>> -> memref<32x256xi32, #tpu.memory_space<hbm>>
      tpu.wait_dma2 semaphore(%run_scoped3A : memref<!tpu.dma_semaphore, #tpu.memory_space<semaphore_mem>>) src(%dma_wait3A_24 : memref<32x256xi32, #tpu.memory_space<hbm>>) dst(%arg9 : memref<32x256xi32, #tpu.memory_space<vmem>>)
      tpu.yield
    }) : () -> ()
    "tpu.region"() ({
      %run_scoped3A = tpu.sem_alloc : memref<!tpu.dma_semaphore, #tpu.memory_space<semaphore_mem>>
      %dma_start3A = arith.constant 0 : i32
      %dma_start3A_11 = arith.constant 0 : i32
      %dma_start3A_12 = tpu.memref_slice %arg5[%arg1, %dma_start3A, %dma_start3A_11] : memref<16x32x384xi32, #tpu.memory_space<hbm>> -> memref<1x32x384xi32, #tpu.memory_space<hbm>>
      %dma_start3A_13 = tpu.memref_squeeze %dma_start3A_12 : memref<1x32x384xi32, #tpu.memory_space<hbm>> -> memref<32x384xi32, #tpu.memory_space<hbm>>
      %dma_start3A_14 = arith.constant 0 : i32
      %dma_start3A_15 = arith.constant 0 : i32
      %dma_start3A_16 = tpu.memref_slice %arg5[%arg1, %dma_start3A_14, %dma_start3A_15] : memref<16x32x384xi32, #tpu.memory_space<hbm>> -> memref<1x32x384xi32, #tpu.memory_space<hbm>>
      %dma_start3A_17 = tpu.memref_squeeze %dma_start3A_16 : memref<1x32x384xi32, #tpu.memory_space<hbm>> -> memref<32x384xi32, #tpu.memory_space<hbm>>
      tpu.enqueue_dma source(%dma_start3A_17 : memref<32x384xi32, #tpu.memory_space<hbm>>) target(%arg10 : memref<32x384xi32, #tpu.memory_space<vmem>>) target_semaphore(%run_scoped3A : memref<!tpu.dma_semaphore, #tpu.memory_space<semaphore_mem>>)
      %dma_wait3A = arith.constant 0 : i32
      %dma_wait3A_18 = arith.constant 0 : i32
      %dma_wait3A_19 = tpu.memref_slice %arg5[%arg1, %dma_wait3A, %dma_wait3A_18] : memref<16x32x384xi32, #tpu.memory_space<hbm>> -> memref<1x32x384xi32, #tpu.memory_space<hbm>>
      %dma_wait3A_20 = tpu.memref_squeeze %dma_wait3A_19 : memref<1x32x384xi32, #tpu.memory_space<hbm>> -> memref<32x384xi32, #tpu.memory_space<hbm>>
      %dma_wait3A_21 = arith.constant 0 : i32
      %dma_wait3A_22 = arith.constant 0 : i32
      %dma_wait3A_23 = tpu.memref_slice %arg5[%arg1, %dma_wait3A_21, %dma_wait3A_22] : memref<16x32x384xi32, #tpu.memory_space<hbm>> -> memref<1x32x384xi32, #tpu.memory_space<hbm>>
      %dma_wait3A_24 = tpu.memref_squeeze %dma_wait3A_23 : memref<1x32x384xi32, #tpu.memory_space<hbm>> -> memref<32x384xi32, #tpu.memory_space<hbm>>
      tpu.wait_dma2 semaphore(%run_scoped3A : memref<!tpu.dma_semaphore, #tpu.memory_space<semaphore_mem>>) src(%dma_wait3A_24 : memref<32x384xi32, #tpu.memory_space<hbm>>) dst(%arg10 : memref<32x384xi32, #tpu.memory_space<vmem>>)
      tpu.yield
    }) : () -> ()
    %mul3A = arith.constant 640 : i32
    %mul3A_0 = arith.muli %arg1, %mul3A : i32
    "tpu.region"() ({
      %run_scoped3A = tpu.sem_alloc : memref<!tpu.dma_semaphore, #tpu.memory_space<semaphore_mem>>
      %dma_start3A = arith.constant 0 : i32
      %dma_start3A_11 = tpu.memref_slice %arg13[%mul3A_0, %dma_start3A] : memref<10240x64xf32, #tpu.memory_space<vmem_shared>> -> memref<640x64xf32, #tpu.memory_space<vmem_shared>>
      tpu.enqueue_dma source(%arg6 : memref<640x64xf32, #tpu.memory_space<hbm>>) target(%dma_start3A_11 : memref<640x64xf32, #tpu.memory_space<vmem_shared>>) target_semaphore(%run_scoped3A : memref<!tpu.dma_semaphore, #tpu.memory_space<semaphore_mem>>)
      %dma_wait3A = arith.constant 0 : i32
      %dma_wait3A_12 = tpu.memref_slice %arg13[%mul3A_0, %dma_wait3A] : memref<10240x64xf32, #tpu.memory_space<vmem_shared>> -> memref<640x64xf32, #tpu.memory_space<vmem_shared>>
      tpu.wait_dma2 semaphore(%run_scoped3A : memref<!tpu.dma_semaphore, #tpu.memory_space<semaphore_mem>>) src(%arg6 : memref<640x64xf32, #tpu.memory_space<hbm>>) dst(%dma_wait3A_12 : memref<640x64xf32, #tpu.memory_space<vmem_shared>>)
      tpu.yield
    }) : () -> ()
    %barrier3A = arith.constant 0 : index
    tpu.barrier barrier_id(%barrier3A)
    %scan3A = arith.constant 0 : i32
    %scan3A_1 = arith.constant 0 : i32
    %scan3A_2 = arith.constant 32 : i32
    %scan3A_3 = arith.addi %scan3A_1, %scan3A_2 : i32
    %scan3A_4 = arith.constant 1 : i32
    scf.for %scan3A_11 = %scan3A_1 to %scan3A_3 step %scan3A_4  : i32 {
      %dma_start3A = arith.constant 256 : i32
      %dma_start3A_12 = tpu.memref_slice %arg8[%scan3A_11, %dma_start3A] : memref<32x640xi32, #tpu.memory_space<vmem>> -> memref<1x384xi32, #tpu.memory_space<vmem>>
      %dma_start3A_13 = tpu.memref_squeeze %dma_start3A_12 : memref<1x384xi32, #tpu.memory_space<vmem>> -> memref<384xi32, #tpu.memory_space<vmem>>
      %dma_start3A_14 = arith.constant 0 : i32
      %dma_start3A_15 = arith.constant 0 : i32
      %dma_start3A_16 = tpu.memref_slice %arg2[%dma_start3A_14, %dma_start3A_15] : memref<20480x64xf32, #tpu.memory_space<hbm>> -> memref<20480x64xf32, #tpu.memory_space<hbm>>
      tpu.enqueue_indirect_dma source(%dma_start3A_16 : memref<20480x64xf32, #tpu.memory_space<hbm>>) target(%arg12 : memref<384x64xf32, #tpu.memory_space<vmem>>) offsets(%dma_start3A_13 : memref<384xi32, #tpu.memory_space<vmem>>) semaphore(%arg14 : memref<!tpu.dma_semaphore, #tpu.memory_space<semaphore_mem>>)
      "tpu.region"() ({
        %run_scoped3A = tpu.sem_alloc : memref<!tpu.dma_semaphore, #tpu.memory_space<semaphore_mem>>
        %dma_start3A_34 = arith.constant 0 : i32
        %dma_start3A_35 = tpu.memref_slice %arg8[%scan3A_11, %dma_start3A_34] : memref<32x640xi32, #tpu.memory_space<vmem>> -> memref<1x256xi32, #tpu.memory_space<vmem>>
        %dma_start3A_36 = tpu.memref_squeeze %dma_start3A_35 : memref<1x256xi32, #tpu.memory_space<vmem>> -> memref<256xi32, #tpu.memory_space<vmem>>
        %dma_start3A_37 = arith.constant 0 : i32
        %dma_start3A_38 = arith.constant 0 : i32
        %dma_start3A_39 = tpu.memref_slice %arg2[%dma_start3A_37, %dma_start3A_38] : memref<20480x64xf32, #tpu.memory_space<hbm>> -> memref<20480x64xf32, #tpu.memory_space<hbm>>
        tpu.enqueue_indirect_dma source(%dma_start3A_39 : memref<20480x64xf32, #tpu.memory_space<hbm>>) target(%arg11 : memref<256x64xf32, #tpu.memory_space<vmem>>) offsets(%dma_start3A_36 : memref<256xi32, #tpu.memory_space<vmem>>) semaphore(%run_scoped3A : memref<!tpu.dma_semaphore, #tpu.memory_space<semaphore_mem>>)
        %dma_wait3A_40 = arith.constant 0 : i32
        %dma_wait3A_41 = tpu.memref_slice %arg8[%scan3A_11, %dma_wait3A_40] : memref<32x640xi32, #tpu.memory_space<vmem>> -> memref<1x256xi32, #tpu.memory_space<vmem>>
        %dma_wait3A_42 = tpu.memref_squeeze %dma_wait3A_41 : memref<1x256xi32, #tpu.memory_space<vmem>> -> memref<256xi32, #tpu.memory_space<vmem>>
        %dma_wait3A_43 = arith.constant 0 : i32
        %dma_wait3A_44 = arith.constant 0 : i32
        %dma_wait3A_45 = tpu.memref_slice %arg2[%dma_wait3A_43, %dma_wait3A_44] : memref<20480x64xf32, #tpu.memory_space<hbm>> -> memref<20480x64xf32, #tpu.memory_space<hbm>>
        tpu.wait_indirect_dma semaphore(%run_scoped3A : memref<!tpu.dma_semaphore, #tpu.memory_space<semaphore_mem>>) src(%dma_wait3A_45 : memref<20480x64xf32, #tpu.memory_space<hbm>>) dst(%arg11 : memref<256x64xf32, #tpu.memory_space<vmem>>)
        tpu.yield
      }) : () -> ()
      %dma_start3A_17 = arith.constant 0 : i32
      %dma_start3A_18 = tpu.memref_slice %arg9[%scan3A_11, %dma_start3A_17] : memref<32x256xi32, #tpu.memory_space<vmem>> -> memref<1x256xi32, #tpu.memory_space<vmem>>
      %dma_start3A_19 = tpu.memref_squeeze %dma_start3A_18 : memref<1x256xi32, #tpu.memory_space<vmem>> -> memref<256xi32, #tpu.memory_space<vmem>>
      %dma_start3A_20 = arith.constant 0 : i32
      %dma_start3A_21 = arith.constant 0 : i32
      %dma_start3A_22 = tpu.memref_slice %arg13[%dma_start3A_20, %dma_start3A_21] : memref<10240x64xf32, #tpu.memory_space<vmem_shared>> -> memref<10240x64xf32, #tpu.memory_space<vmem_shared>>
      tpu.enqueue_indirect_dma source(%arg11 : memref<256x64xf32, #tpu.memory_space<vmem>>) target(%dma_start3A_22 : memref<10240x64xf32, #tpu.memory_space<vmem_shared>>) offsets(%dma_start3A_19 : memref<256xi32, #tpu.memory_space<vmem>>) semaphore(%arg15 : memref<!tpu.dma_semaphore, #tpu.memory_space<semaphore_mem>>) {add = true}
      %dma_wait3A = arith.constant 256 : i32
      %dma_wait3A_23 = tpu.memref_slice %arg8[%scan3A_11, %dma_wait3A] : memref<32x640xi32, #tpu.memory_space<vmem>> -> memref<1x384xi32, #tpu.memory_space<vmem>>
      %dma_wait3A_24 = tpu.memref_squeeze %dma_wait3A_23 : memref<1x384xi32, #tpu.memory_space<vmem>> -> memref<384xi32, #tpu.memory_space<vmem>>
      %dma_wait3A_25 = arith.constant 0 : i32
      %dma_wait3A_26 = arith.constant 0 : i32
      %dma_wait3A_27 = tpu.memref_slice %arg2[%dma_wait3A_25, %dma_wait3A_26] : memref<20480x64xf32, #tpu.memory_space<hbm>> -> memref<20480x64xf32, #tpu.memory_space<hbm>>
      tpu.wait_indirect_dma semaphore(%arg14 : memref<!tpu.dma_semaphore, #tpu.memory_space<semaphore_mem>>) src(%dma_wait3A_27 : memref<20480x64xf32, #tpu.memory_space<hbm>>) dst(%arg12 : memref<384x64xf32, #tpu.memory_space<vmem>>)
      "tpu.region"() ({
        %run_scoped3A = tpu.sem_alloc : memref<!tpu.dma_semaphore, #tpu.memory_space<semaphore_mem>>
        %dma_start3A_34 = arith.constant 0 : i32
        %dma_start3A_35 = tpu.memref_slice %arg10[%scan3A_11, %dma_start3A_34] : memref<32x384xi32, #tpu.memory_space<vmem>> -> memref<1x384xi32, #tpu.memory_space<vmem>>
        %dma_start3A_36 = tpu.memref_squeeze %dma_start3A_35 : memref<1x384xi32, #tpu.memory_space<vmem>> -> memref<384xi32, #tpu.memory_space<vmem>>
        %dma_start3A_37 = arith.constant 0 : i32
        %dma_start3A_38 = arith.constant 0 : i32
        %dma_start3A_39 = tpu.memref_slice %arg13[%dma_start3A_37, %dma_start3A_38] : memref<10240x64xf32, #tpu.memory_space<vmem_shared>> -> memref<10240x64xf32, #tpu.memory_space<vmem_shared>>
        tpu.enqueue_indirect_dma source(%arg12 : memref<384x64xf32, #tpu.memory_space<vmem>>) target(%dma_start3A_39 : memref<10240x64xf32, #tpu.memory_space<vmem_shared>>) offsets(%dma_start3A_36 : memref<384xi32, #tpu.memory_space<vmem>>) semaphore(%run_scoped3A : memref<!tpu.dma_semaphore, #tpu.memory_space<semaphore_mem>>) {add = true}
        %dma_wait3A_40 = arith.constant 0 : i32
        %dma_wait3A_41 = tpu.memref_slice %arg10[%scan3A_11, %dma_wait3A_40] : memref<32x384xi32, #tpu.memory_space<vmem>> -> memref<1x384xi32, #tpu.memory_space<vmem>>
        %dma_wait3A_42 = tpu.memref_squeeze %dma_wait3A_41 : memref<1x384xi32, #tpu.memory_space<vmem>> -> memref<384xi32, #tpu.memory_space<vmem>>
        %dma_wait3A_43 = arith.constant 0 : i32
        %dma_wait3A_44 = arith.constant 0 : i32
        %dma_wait3A_45 = tpu.memref_slice %arg13[%dma_wait3A_43, %dma_wait3A_44] : memref<10240x64xf32, #tpu.memory_space<vmem_shared>> -> memref<10240x64xf32, #tpu.memory_space<vmem_shared>>
        tpu.wait_indirect_dma semaphore(%run_scoped3A : memref<!tpu.dma_semaphore, #tpu.memory_space<semaphore_mem>>) src(%arg12 : memref<384x64xf32, #tpu.memory_space<vmem>>) dst(%dma_wait3A_45 : memref<10240x64xf32, #tpu.memory_space<vmem_shared>>)
        tpu.yield
      }) : () -> ()
      %dma_wait3A_28 = arith.constant 0 : i32
      %dma_wait3A_29 = tpu.memref_slice %arg9[%scan3A_11, %dma_wait3A_28] : memref<32x256xi32, #tpu.memory_space<vmem>> -> memref<1x256xi32, #tpu.memory_space<vmem>>
      %dma_wait3A_30 = tpu.memref_squeeze %dma_wait3A_29 : memref<1x256xi32, #tpu.memory_space<vmem>> -> memref<256xi32, #tpu.memory_space<vmem>>
      %dma_wait3A_31 = arith.constant 0 : i32
      %dma_wait3A_32 = arith.constant 0 : i32
      %dma_wait3A_33 = tpu.memref_slice %arg13[%dma_wait3A_31, %dma_wait3A_32] : memref<10240x64xf32, #tpu.memory_space<vmem_shared>> -> memref<10240x64xf32, #tpu.memory_space<vmem_shared>>
      tpu.wait_indirect_dma semaphore(%arg15 : memref<!tpu.dma_semaphore, #tpu.memory_space<semaphore_mem>>) src(%arg11 : memref<256x64xf32, #tpu.memory_space<vmem>>) dst(%dma_wait3A_33 : memref<10240x64xf32, #tpu.memory_space<vmem_shared>>)
    }
    %scan3A_5 = arith.constant 32 : i32
    %barrier3A_6 = arith.constant 0 : index
    tpu.barrier barrier_id(%barrier3A_6)
    %mul3A_7 = arith.constant 640 : i32
    %mul3A_8 = arith.muli %arg1, %mul3A_7 : i32
    %mul3A_9 = arith.constant 640 : i32
    %mul3A_10 = arith.muli %arg1, %mul3A_9 : i32
    "tpu.region"() ({
      %run_scoped3A = tpu.sem_alloc : memref<!tpu.dma_semaphore, #tpu.memory_space<semaphore_mem>>
      %dma_start3A = arith.constant 0 : i32
      %dma_start3A_11 = tpu.memref_slice %arg7[%arg0, %mul3A_10, %dma_start3A] : memref<2x10240x64xf32, #tpu.memory_space<hbm>> -> memref<1x640x64xf32, #tpu.memory_space<hbm>>
      %dma_start3A_12 = tpu.memref_squeeze %dma_start3A_11 : memref<1x640x64xf32, #tpu.memory_space<hbm>> -> memref<640x64xf32, #tpu.memory_space<hbm>>
      %dma_start3A_13 = arith.constant 0 : i32
      %dma_start3A_14 = tpu.memref_slice %arg13[%mul3A_8, %dma_start3A_13] : memref<10240x64xf32, #tpu.memory_space<vmem_shared>> -> memref<640x64xf32, #tpu.memory_space<vmem_shared>>
      tpu.enqueue_dma source(%dma_start3A_14 : memref<640x64xf32, #tpu.memory_space<vmem_shared>>) target(%dma_start3A_12 : memref<640x64xf32, #tpu.memory_space<hbm>>) target_semaphore(%run_scoped3A : memref<!tpu.dma_semaphore, #tpu.memory_space<semaphore_mem>>)
      %dma_wait3A = arith.constant 0 : i32
      %dma_wait3A_15 = tpu.memref_slice %arg7[%arg0, %mul3A_10, %dma_wait3A] : memref<2x10240x64xf32, #tpu.memory_space<hbm>> -> memref<1x640x64xf32, #tpu.memory_space<hbm>>
      %dma_wait3A_16 = tpu.memref_squeeze %dma_wait3A_15 : memref<1x640x64xf32, #tpu.memory_space<hbm>> -> memref<640x64xf32, #tpu.memory_space<hbm>>
      %dma_wait3A_17 = arith.constant 0 : i32
      %dma_wait3A_18 = tpu.memref_slice %arg13[%mul3A_8, %dma_wait3A_17] : memref<10240x64xf32, #tpu.memory_space<vmem_shared>> -> memref<640x64xf32, #tpu.memory_space<vmem_shared>>
      tpu.wait_dma2 semaphore(%run_scoped3A : memref<!tpu.dma_semaphore, #tpu.memory_space<semaphore_mem>>) src(%dma_wait3A_18 : memref<640x64xf32, #tpu.memory_space<vmem_shared>>) dst(%dma_wait3A_16 : memref<640x64xf32, #tpu.memory_space<hbm>>)
      tpu.yield
    }) : () -> ()
    return
  }
}

#map = affine_map<(d0, d1) -> (0, 0, 0)>
#map1 = affine_map<(d0, d1) -> (0, 0)>
module attributes {stable_mosaic.version = 14 : i64} {
  func.func @_sc_deg_body(%arg0: i32, %arg1: i32, %arg2: memref<32x80x128xi32, #tpu.memory_space<hbm>>, %arg3: memref<128x16xf32, #tpu.memory_space<hbm>>, %arg4: memref<640x16xf32, #tpu.memory_space<hbm>>, %arg5: memref<2x10240x16xf32, #tpu.memory_space<hbm>>, %arg6: memref<80x128xi32, #tpu.memory_space<vmem>>, %arg7: memref<128x16xf32, #tpu.memory_space<vmem>>, %arg8: memref<640x16xf32, #tpu.memory_space<vmem>>, %arg9: memref<10240x16xf32, #tpu.memory_space<vmem_shared>>) attributes {dimension_semantics = [#tpu.dimension_semantics<core_parallel>, #tpu.dimension_semantics<subcore_parallel>], iteration_bounds = array<i64: 2, 16>, scalar_prefetch = 0 : i64, scratch_operands = 4 : i64, tpu.core_type = #tpu.core_type<sc_vector_subcore>, window_params = [{transform_indices = #map}, {transform_indices = #map1}, {transform_indices = #map1}, {transform_indices = #map}]} {
    %mul3A = arith.constant 2 : i32
    %mul3A_0 = arith.muli %arg1, %mul3A : i32
    %add3A = arith.addi %mul3A_0, %arg0 : i32
    "tpu.region"() ({
      %run_scoped3A = tpu.sem_alloc : memref<!tpu.dma_semaphore, #tpu.memory_space<semaphore_mem>>
      %dma_start3A = arith.constant 0 : i32
      %dma_start3A_13 = arith.constant 0 : i32
      %dma_start3A_14 = tpu.memref_slice %arg2[%add3A, %dma_start3A, %dma_start3A_13] : memref<32x80x128xi32, #tpu.memory_space<hbm>> -> memref<1x80x128xi32, #tpu.memory_space<hbm>>
      %dma_start3A_15 = tpu.memref_squeeze %dma_start3A_14 : memref<1x80x128xi32, #tpu.memory_space<hbm>> -> memref<80x128xi32, #tpu.memory_space<hbm>>
      %dma_start3A_16 = arith.constant 0 : i32
      %dma_start3A_17 = arith.constant 0 : i32
      %dma_start3A_18 = tpu.memref_slice %arg2[%add3A, %dma_start3A_16, %dma_start3A_17] : memref<32x80x128xi32, #tpu.memory_space<hbm>> -> memref<1x80x128xi32, #tpu.memory_space<hbm>>
      %dma_start3A_19 = tpu.memref_squeeze %dma_start3A_18 : memref<1x80x128xi32, #tpu.memory_space<hbm>> -> memref<80x128xi32, #tpu.memory_space<hbm>>
      tpu.enqueue_dma source(%dma_start3A_19 : memref<80x128xi32, #tpu.memory_space<hbm>>) target(%arg6 : memref<80x128xi32, #tpu.memory_space<vmem>>) target_semaphore(%run_scoped3A : memref<!tpu.dma_semaphore, #tpu.memory_space<semaphore_mem>>)
      %dma_wait3A = arith.constant 0 : i32
      %dma_wait3A_20 = arith.constant 0 : i32
      %dma_wait3A_21 = tpu.memref_slice %arg2[%add3A, %dma_wait3A, %dma_wait3A_20] : memref<32x80x128xi32, #tpu.memory_space<hbm>> -> memref<1x80x128xi32, #tpu.memory_space<hbm>>
      %dma_wait3A_22 = tpu.memref_squeeze %dma_wait3A_21 : memref<1x80x128xi32, #tpu.memory_space<hbm>> -> memref<80x128xi32, #tpu.memory_space<hbm>>
      %dma_wait3A_23 = arith.constant 0 : i32
      %dma_wait3A_24 = arith.constant 0 : i32
      %dma_wait3A_25 = tpu.memref_slice %arg2[%add3A, %dma_wait3A_23, %dma_wait3A_24] : memref<32x80x128xi32, #tpu.memory_space<hbm>> -> memref<1x80x128xi32, #tpu.memory_space<hbm>>
      %dma_wait3A_26 = tpu.memref_squeeze %dma_wait3A_25 : memref<1x80x128xi32, #tpu.memory_space<hbm>> -> memref<80x128xi32, #tpu.memory_space<hbm>>
      tpu.wait_dma2 semaphore(%run_scoped3A : memref<!tpu.dma_semaphore, #tpu.memory_space<semaphore_mem>>) src(%dma_wait3A_26 : memref<80x128xi32, #tpu.memory_space<hbm>>) dst(%arg6 : memref<80x128xi32, #tpu.memory_space<vmem>>)
      tpu.yield
    }) : () -> ()
    "tpu.region"() ({
      %run_scoped3A = tpu.sem_alloc : memref<!tpu.dma_semaphore, #tpu.memory_space<semaphore_mem>>
      tpu.enqueue_dma source(%arg3 : memref<128x16xf32, #tpu.memory_space<hbm>>) target(%arg7 : memref<128x16xf32, #tpu.memory_space<vmem>>) target_semaphore(%run_scoped3A : memref<!tpu.dma_semaphore, #tpu.memory_space<semaphore_mem>>)
      tpu.wait_dma2 semaphore(%run_scoped3A : memref<!tpu.dma_semaphore, #tpu.memory_space<semaphore_mem>>) src(%arg3 : memref<128x16xf32, #tpu.memory_space<hbm>>) dst(%arg7 : memref<128x16xf32, #tpu.memory_space<vmem>>)
      tpu.yield
    }) : () -> ()
    "tpu.region"() ({
      %run_scoped3A = tpu.sem_alloc : memref<!tpu.dma_semaphore, #tpu.memory_space<semaphore_mem>>
      tpu.enqueue_dma source(%arg4 : memref<640x16xf32, #tpu.memory_space<hbm>>) target(%arg8 : memref<640x16xf32, #tpu.memory_space<vmem>>) target_semaphore(%run_scoped3A : memref<!tpu.dma_semaphore, #tpu.memory_space<semaphore_mem>>)
      tpu.wait_dma2 semaphore(%run_scoped3A : memref<!tpu.dma_semaphore, #tpu.memory_space<semaphore_mem>>) src(%arg4 : memref<640x16xf32, #tpu.memory_space<hbm>>) dst(%arg8 : memref<640x16xf32, #tpu.memory_space<vmem>>)
      tpu.yield
    }) : () -> ()
    %mul3A_1 = arith.constant 640 : i32
    %mul3A_2 = arith.muli %arg1, %mul3A_1 : i32
    "tpu.region"() ({
      %run_scoped3A = tpu.sem_alloc : memref<!tpu.dma_semaphore, #tpu.memory_space<semaphore_mem>>
      %dma_start3A = arith.constant 0 : i32
      %dma_start3A_13 = tpu.memref_slice %arg9[%mul3A_2, %dma_start3A] : memref<10240x16xf32, #tpu.memory_space<vmem_shared>> -> memref<640x16xf32, #tpu.memory_space<vmem_shared>>
      %dma_start3A_14 = arith.constant 0 : i32
      %dma_start3A_15 = tpu.memref_slice %arg9[%mul3A_2, %dma_start3A_14] : memref<10240x16xf32, #tpu.memory_space<vmem_shared>> -> memref<640x16xf32, #tpu.memory_space<vmem_shared>>
      tpu.enqueue_dma source(%arg8 : memref<640x16xf32, #tpu.memory_space<vmem>>) target(%dma_start3A_15 : memref<640x16xf32, #tpu.memory_space<vmem_shared>>) target_semaphore(%run_scoped3A : memref<!tpu.dma_semaphore, #tpu.memory_space<semaphore_mem>>)
      %dma_wait3A = arith.constant 0 : i32
      %dma_wait3A_16 = tpu.memref_slice %arg9[%mul3A_2, %dma_wait3A] : memref<10240x16xf32, #tpu.memory_space<vmem_shared>> -> memref<640x16xf32, #tpu.memory_space<vmem_shared>>
      %dma_wait3A_17 = arith.constant 0 : i32
      %dma_wait3A_18 = tpu.memref_slice %arg9[%mul3A_2, %dma_wait3A_17] : memref<10240x16xf32, #tpu.memory_space<vmem_shared>> -> memref<640x16xf32, #tpu.memory_space<vmem_shared>>
      tpu.wait_dma2 semaphore(%run_scoped3A : memref<!tpu.dma_semaphore, #tpu.memory_space<semaphore_mem>>) src(%arg8 : memref<640x16xf32, #tpu.memory_space<vmem>>) dst(%dma_wait3A_18 : memref<640x16xf32, #tpu.memory_space<vmem_shared>>)
      tpu.yield
    }) : () -> ()
    %barrier3A = arith.constant 0 : index
    tpu.barrier barrier_id(%barrier3A)
    %scan3A = arith.constant 0 : i32
    %scan3A_3 = arith.constant 0 : i32
    %scan3A_4 = arith.constant 80 : i32
    %scan3A_5 = arith.addi %scan3A_3, %scan3A_4 : i32
    %scan3A_6 = arith.constant 1 : i32
    scf.for %scan3A_13 = %scan3A_3 to %scan3A_5 step %scan3A_6  : i32 {
      "tpu.region"() ({
        %run_scoped3A = tpu.sem_alloc : memref<!tpu.dma_semaphore, #tpu.memory_space<semaphore_mem>>
        %dma_start3A = arith.constant 0 : i32
        %dma_start3A_14 = tpu.memref_slice %arg6[%scan3A_13, %dma_start3A] : memref<80x128xi32, #tpu.memory_space<vmem>> -> memref<1x128xi32, #tpu.memory_space<vmem>>
        %dma_start3A_15 = tpu.memref_squeeze %dma_start3A_14 : memref<1x128xi32, #tpu.memory_space<vmem>> -> memref<128xi32, #tpu.memory_space<vmem>>
        %dma_start3A_16 = arith.constant 0 : i32
        %dma_start3A_17 = arith.constant 0 : i32
        %dma_start3A_18 = tpu.memref_slice %arg9[%dma_start3A_16, %dma_start3A_17] : memref<10240x16xf32, #tpu.memory_space<vmem_shared>> -> memref<10240x16xf32, #tpu.memory_space<vmem_shared>>
        tpu.enqueue_indirect_dma source(%arg7 : memref<128x16xf32, #tpu.memory_space<vmem>>) target(%dma_start3A_18 : memref<10240x16xf32, #tpu.memory_space<vmem_shared>>) offsets(%dma_start3A_15 : memref<128xi32, #tpu.memory_space<vmem>>) semaphore(%run_scoped3A : memref<!tpu.dma_semaphore, #tpu.memory_space<semaphore_mem>>) {add = true}
        %dma_wait3A = arith.constant 0 : i32
        %dma_wait3A_19 = tpu.memref_slice %arg6[%scan3A_13, %dma_wait3A] : memref<80x128xi32, #tpu.memory_space<vmem>> -> memref<1x128xi32, #tpu.memory_space<vmem>>
        %dma_wait3A_20 = tpu.memref_squeeze %dma_wait3A_19 : memref<1x128xi32, #tpu.memory_space<vmem>> -> memref<128xi32, #tpu.memory_space<vmem>>
        %dma_wait3A_21 = arith.constant 0 : i32
        %dma_wait3A_22 = arith.constant 0 : i32
        %dma_wait3A_23 = tpu.memref_slice %arg9[%dma_wait3A_21, %dma_wait3A_22] : memref<10240x16xf32, #tpu.memory_space<vmem_shared>> -> memref<10240x16xf32, #tpu.memory_space<vmem_shared>>
        tpu.wait_indirect_dma semaphore(%run_scoped3A : memref<!tpu.dma_semaphore, #tpu.memory_space<semaphore_mem>>) src(%arg7 : memref<128x16xf32, #tpu.memory_space<vmem>>) dst(%dma_wait3A_23 : memref<10240x16xf32, #tpu.memory_space<vmem_shared>>)
        tpu.yield
      }) : () -> ()
    }
    %scan3A_7 = arith.constant 80 : i32
    %barrier3A_8 = arith.constant 0 : index
    tpu.barrier barrier_id(%barrier3A_8)
    %mul3A_9 = arith.constant 640 : i32
    %mul3A_10 = arith.muli %arg1, %mul3A_9 : i32
    %mul3A_11 = arith.constant 640 : i32
    %mul3A_12 = arith.muli %arg1, %mul3A_11 : i32
    "tpu.region"() ({
      %run_scoped3A = tpu.sem_alloc : memref<!tpu.dma_semaphore, #tpu.memory_space<semaphore_mem>>
      %dma_start3A = arith.constant 0 : i32
      %dma_start3A_13 = tpu.memref_slice %arg5[%arg0, %mul3A_12, %dma_start3A] : memref<2x10240x16xf32, #tpu.memory_space<hbm>> -> memref<1x640x16xf32, #tpu.memory_space<hbm>>
      %dma_start3A_14 = tpu.memref_squeeze %dma_start3A_13 : memref<1x640x16xf32, #tpu.memory_space<hbm>> -> memref<640x16xf32, #tpu.memory_space<hbm>>
      %dma_start3A_15 = arith.constant 0 : i32
      %dma_start3A_16 = tpu.memref_slice %arg9[%mul3A_10, %dma_start3A_15] : memref<10240x16xf32, #tpu.memory_space<vmem_shared>> -> memref<640x16xf32, #tpu.memory_space<vmem_shared>>
      tpu.enqueue_dma source(%dma_start3A_16 : memref<640x16xf32, #tpu.memory_space<vmem_shared>>) target(%dma_start3A_14 : memref<640x16xf32, #tpu.memory_space<hbm>>) target_semaphore(%run_scoped3A : memref<!tpu.dma_semaphore, #tpu.memory_space<semaphore_mem>>)
      %dma_wait3A = arith.constant 0 : i32
      %dma_wait3A_17 = tpu.memref_slice %arg5[%arg0, %mul3A_12, %dma_wait3A] : memref<2x10240x16xf32, #tpu.memory_space<hbm>> -> memref<1x640x16xf32, #tpu.memory_space<hbm>>
      %dma_wait3A_18 = tpu.memref_squeeze %dma_wait3A_17 : memref<1x640x16xf32, #tpu.memory_space<hbm>> -> memref<640x16xf32, #tpu.memory_space<hbm>>
      %dma_wait3A_19 = arith.constant 0 : i32
      %dma_wait3A_20 = tpu.memref_slice %arg9[%mul3A_10, %dma_wait3A_19] : memref<10240x16xf32, #tpu.memory_space<vmem_shared>> -> memref<640x16xf32, #tpu.memory_space<vmem_shared>>
      tpu.wait_dma2 semaphore(%run_scoped3A : memref<!tpu.dma_semaphore, #tpu.memory_space<semaphore_mem>>) src(%dma_wait3A_20 : memref<640x16xf32, #tpu.memory_space<vmem_shared>>) dst(%dma_wait3A_18 : memref<640x16xf32, #tpu.memory_space<hbm>>)
      tpu.yield
    }) : () -> ()
    return
  }
}

#map = affine_map<(d0, d1) -> (0, 0)>
#map1 = affine_map<(d0, d1) -> (0, 0, 0, 0)>
#map2 = affine_map<(d0, d1) -> (0, 0, 0)>
module attributes {stable_mosaic.version = 14 : i64} {
  func.func @_sc_agg_body(%arg0: i32, %arg1: i32, %arg2: memref<20480x64xf32, #tpu.memory_space<hbm>>, %arg3: memref<2x16x32x640xi32, #tpu.memory_space<hbm>>, %arg4: memref<16x32x256xi32, #tpu.memory_space<hbm>>, %arg5: memref<16x32x384xi32, #tpu.memory_space<hbm>>, %arg6: memref<640x64xf32, #tpu.memory_space<hbm>>, %arg7: memref<2x10240x64xf32, #tpu.memory_space<hbm>>, %arg8: memref<32x640xi32, #tpu.memory_space<vmem>>, %arg9: memref<32x256xi32, #tpu.memory_space<vmem>>, %arg10: memref<32x384xi32, #tpu.memory_space<vmem>>, %arg11: memref<256x64xf32, #tpu.memory_space<vmem>>, %arg12: memref<384x64xf32, #tpu.memory_space<vmem>>, %arg13: memref<10240x64xf32, #tpu.memory_space<vmem_shared>>, %arg14: memref<!tpu.dma_semaphore, #tpu.memory_space<semaphore_mem>>, %arg15: memref<!tpu.dma_semaphore, #tpu.memory_space<semaphore_mem>>) attributes {dimension_semantics = [#tpu.dimension_semantics<core_parallel>, #tpu.dimension_semantics<subcore_parallel>], iteration_bounds = array<i64: 2, 16>, scalar_prefetch = 0 : i64, scratch_operands = 8 : i64, tpu.core_type = #tpu.core_type<sc_vector_subcore>, window_params = [{transform_indices = #map}, {transform_indices = #map1}, {transform_indices = #map2}, {transform_indices = #map2}, {transform_indices = #map}, {transform_indices = #map2}]} {
    "tpu.region"() ({
      %run_scoped3A = tpu.sem_alloc : memref<!tpu.dma_semaphore, #tpu.memory_space<semaphore_mem>>
      %dma_start3A = arith.constant 0 : i32
      %dma_start3A_11 = arith.constant 0 : i32
      %dma_start3A_12 = tpu.memref_slice %arg3[%arg0, %arg1, %dma_start3A, %dma_start3A_11] : memref<2x16x32x640xi32, #tpu.memory_space<hbm>> -> memref<1x1x32x640xi32, #tpu.memory_space<hbm>>
      %dma_start3A_13 = tpu.memref_squeeze %dma_start3A_12 : memref<1x1x32x640xi32, #tpu.memory_space<hbm>> -> memref<32x640xi32, #tpu.memory_space<hbm>>
      %dma_start3A_14 = arith.constant 0 : i32
      %dma_start3A_15 = arith.constant 0 : i32
      %dma_start3A_16 = tpu.memref_slice %arg3[%arg0, %arg1, %dma_start3A_14, %dma_start3A_15] : memref<2x16x32x640xi32, #tpu.memory_space<hbm>> -> memref<1x1x32x640xi32, #tpu.memory_space<hbm>>
      %dma_start3A_17 = tpu.memref_squeeze %dma_start3A_16 : memref<1x1x32x640xi32, #tpu.memory_space<hbm>> -> memref<32x640xi32, #tpu.memory_space<hbm>>
      tpu.enqueue_dma source(%dma_start3A_17 : memref<32x640xi32, #tpu.memory_space<hbm>>) target(%arg8 : memref<32x640xi32, #tpu.memory_space<vmem>>) target_semaphore(%run_scoped3A : memref<!tpu.dma_semaphore, #tpu.memory_space<semaphore_mem>>)
      %dma_wait3A = arith.constant 0 : i32
      %dma_wait3A_18 = arith.constant 0 : i32
      %dma_wait3A_19 = tpu.memref_slice %arg3[%arg0, %arg1, %dma_wait3A, %dma_wait3A_18] : memref<2x16x32x640xi32, #tpu.memory_space<hbm>> -> memref<1x1x32x640xi32, #tpu.memory_space<hbm>>
      %dma_wait3A_20 = tpu.memref_squeeze %dma_wait3A_19 : memref<1x1x32x640xi32, #tpu.memory_space<hbm>> -> memref<32x640xi32, #tpu.memory_space<hbm>>
      %dma_wait3A_21 = arith.constant 0 : i32
      %dma_wait3A_22 = arith.constant 0 : i32
      %dma_wait3A_23 = tpu.memref_slice %arg3[%arg0, %arg1, %dma_wait3A_21, %dma_wait3A_22] : memref<2x16x32x640xi32, #tpu.memory_space<hbm>> -> memref<1x1x32x640xi32, #tpu.memory_space<hbm>>
      %dma_wait3A_24 = tpu.memref_squeeze %dma_wait3A_23 : memref<1x1x32x640xi32, #tpu.memory_space<hbm>> -> memref<32x640xi32, #tpu.memory_space<hbm>>
      tpu.wait_dma2 semaphore(%run_scoped3A : memref<!tpu.dma_semaphore, #tpu.memory_space<semaphore_mem>>) src(%dma_wait3A_24 : memref<32x640xi32, #tpu.memory_space<hbm>>) dst(%arg8 : memref<32x640xi32, #tpu.memory_space<vmem>>)
      tpu.yield
    }) : () -> ()
    "tpu.region"() ({
      %run_scoped3A = tpu.sem_alloc : memref<!tpu.dma_semaphore, #tpu.memory_space<semaphore_mem>>
      %dma_start3A = arith.constant 0 : i32
      %dma_start3A_11 = arith.constant 0 : i32
      %dma_start3A_12 = tpu.memref_slice %arg4[%arg1, %dma_start3A, %dma_start3A_11] : memref<16x32x256xi32, #tpu.memory_space<hbm>> -> memref<1x32x256xi32, #tpu.memory_space<hbm>>
      %dma_start3A_13 = tpu.memref_squeeze %dma_start3A_12 : memref<1x32x256xi32, #tpu.memory_space<hbm>> -> memref<32x256xi32, #tpu.memory_space<hbm>>
      %dma_start3A_14 = arith.constant 0 : i32
      %dma_start3A_15 = arith.constant 0 : i32
      %dma_start3A_16 = tpu.memref_slice %arg4[%arg1, %dma_start3A_14, %dma_start3A_15] : memref<16x32x256xi32, #tpu.memory_space<hbm>> -> memref<1x32x256xi32, #tpu.memory_space<hbm>>
      %dma_start3A_17 = tpu.memref_squeeze %dma_start3A_16 : memref<1x32x256xi32, #tpu.memory_space<hbm>> -> memref<32x256xi32, #tpu.memory_space<hbm>>
      tpu.enqueue_dma source(%dma_start3A_17 : memref<32x256xi32, #tpu.memory_space<hbm>>) target(%arg9 : memref<32x256xi32, #tpu.memory_space<vmem>>) target_semaphore(%run_scoped3A : memref<!tpu.dma_semaphore, #tpu.memory_space<semaphore_mem>>)
      %dma_wait3A = arith.constant 0 : i32
      %dma_wait3A_18 = arith.constant 0 : i32
      %dma_wait3A_19 = tpu.memref_slice %arg4[%arg1, %dma_wait3A, %dma_wait3A_18] : memref<16x32x256xi32, #tpu.memory_space<hbm>> -> memref<1x32x256xi32, #tpu.memory_space<hbm>>
      %dma_wait3A_20 = tpu.memref_squeeze %dma_wait3A_19 : memref<1x32x256xi32, #tpu.memory_space<hbm>> -> memref<32x256xi32, #tpu.memory_space<hbm>>
      %dma_wait3A_21 = arith.constant 0 : i32
      %dma_wait3A_22 = arith.constant 0 : i32
      %dma_wait3A_23 = tpu.memref_slice %arg4[%arg1, %dma_wait3A_21, %dma_wait3A_22] : memref<16x32x256xi32, #tpu.memory_space<hbm>> -> memref<1x32x256xi32, #tpu.memory_space<hbm>>
      %dma_wait3A_24 = tpu.memref_squeeze %dma_wait3A_23 : memref<1x32x256xi32, #tpu.memory_space<hbm>> -> memref<32x256xi32, #tpu.memory_space<hbm>>
      tpu.wait_dma2 semaphore(%run_scoped3A : memref<!tpu.dma_semaphore, #tpu.memory_space<semaphore_mem>>) src(%dma_wait3A_24 : memref<32x256xi32, #tpu.memory_space<hbm>>) dst(%arg9 : memref<32x256xi32, #tpu.memory_space<vmem>>)
      tpu.yield
    }) : () -> ()
    "tpu.region"() ({
      %run_scoped3A = tpu.sem_alloc : memref<!tpu.dma_semaphore, #tpu.memory_space<semaphore_mem>>
      %dma_start3A = arith.constant 0 : i32
      %dma_start3A_11 = arith.constant 0 : i32
      %dma_start3A_12 = tpu.memref_slice %arg5[%arg1, %dma_start3A, %dma_start3A_11] : memref<16x32x384xi32, #tpu.memory_space<hbm>> -> memref<1x32x384xi32, #tpu.memory_space<hbm>>
      %dma_start3A_13 = tpu.memref_squeeze %dma_start3A_12 : memref<1x32x384xi32, #tpu.memory_space<hbm>> -> memref<32x384xi32, #tpu.memory_space<hbm>>
      %dma_start3A_14 = arith.constant 0 : i32
      %dma_start3A_15 = arith.constant 0 : i32
      %dma_start3A_16 = tpu.memref_slice %arg5[%arg1, %dma_start3A_14, %dma_start3A_15] : memref<16x32x384xi32, #tpu.memory_space<hbm>> -> memref<1x32x384xi32, #tpu.memory_space<hbm>>
      %dma_start3A_17 = tpu.memref_squeeze %dma_start3A_16 : memref<1x32x384xi32, #tpu.memory_space<hbm>> -> memref<32x384xi32, #tpu.memory_space<hbm>>
      tpu.enqueue_dma source(%dma_start3A_17 : memref<32x384xi32, #tpu.memory_space<hbm>>) target(%arg10 : memref<32x384xi32, #tpu.memory_space<vmem>>) target_semaphore(%run_scoped3A : memref<!tpu.dma_semaphore, #tpu.memory_space<semaphore_mem>>)
      %dma_wait3A = arith.constant 0 : i32
      %dma_wait3A_18 = arith.constant 0 : i32
      %dma_wait3A_19 = tpu.memref_slice %arg5[%arg1, %dma_wait3A, %dma_wait3A_18] : memref<16x32x384xi32, #tpu.memory_space<hbm>> -> memref<1x32x384xi32, #tpu.memory_space<hbm>>
      %dma_wait3A_20 = tpu.memref_squeeze %dma_wait3A_19 : memref<1x32x384xi32, #tpu.memory_space<hbm>> -> memref<32x384xi32, #tpu.memory_space<hbm>>
      %dma_wait3A_21 = arith.constant 0 : i32
      %dma_wait3A_22 = arith.constant 0 : i32
      %dma_wait3A_23 = tpu.memref_slice %arg5[%arg1, %dma_wait3A_21, %dma_wait3A_22] : memref<16x32x384xi32, #tpu.memory_space<hbm>> -> memref<1x32x384xi32, #tpu.memory_space<hbm>>
      %dma_wait3A_24 = tpu.memref_squeeze %dma_wait3A_23 : memref<1x32x384xi32, #tpu.memory_space<hbm>> -> memref<32x384xi32, #tpu.memory_space<hbm>>
      tpu.wait_dma2 semaphore(%run_scoped3A : memref<!tpu.dma_semaphore, #tpu.memory_space<semaphore_mem>>) src(%dma_wait3A_24 : memref<32x384xi32, #tpu.memory_space<hbm>>) dst(%arg10 : memref<32x384xi32, #tpu.memory_space<vmem>>)
      tpu.yield
    }) : () -> ()
    %mul3A = arith.constant 640 : i32
    %mul3A_0 = arith.muli %arg1, %mul3A : i32
    "tpu.region"() ({
      %run_scoped3A = tpu.sem_alloc : memref<!tpu.dma_semaphore, #tpu.memory_space<semaphore_mem>>
      %dma_start3A = arith.constant 0 : i32
      %dma_start3A_11 = tpu.memref_slice %arg13[%mul3A_0, %dma_start3A] : memref<10240x64xf32, #tpu.memory_space<vmem_shared>> -> memref<640x64xf32, #tpu.memory_space<vmem_shared>>
      tpu.enqueue_dma source(%arg6 : memref<640x64xf32, #tpu.memory_space<hbm>>) target(%dma_start3A_11 : memref<640x64xf32, #tpu.memory_space<vmem_shared>>) target_semaphore(%run_scoped3A : memref<!tpu.dma_semaphore, #tpu.memory_space<semaphore_mem>>)
      %dma_wait3A = arith.constant 0 : i32
      %dma_wait3A_12 = tpu.memref_slice %arg13[%mul3A_0, %dma_wait3A] : memref<10240x64xf32, #tpu.memory_space<vmem_shared>> -> memref<640x64xf32, #tpu.memory_space<vmem_shared>>
      tpu.wait_dma2 semaphore(%run_scoped3A : memref<!tpu.dma_semaphore, #tpu.memory_space<semaphore_mem>>) src(%arg6 : memref<640x64xf32, #tpu.memory_space<hbm>>) dst(%dma_wait3A_12 : memref<640x64xf32, #tpu.memory_space<vmem_shared>>)
      tpu.yield
    }) : () -> ()
    %barrier3A = arith.constant 0 : index
    tpu.barrier barrier_id(%barrier3A)
    %scan3A = arith.constant 0 : i32
    %scan3A_1 = arith.constant 0 : i32
    %scan3A_2 = arith.constant 32 : i32
    %scan3A_3 = arith.addi %scan3A_1, %scan3A_2 : i32
    %scan3A_4 = arith.constant 1 : i32
    scf.for %scan3A_11 = %scan3A_1 to %scan3A_3 step %scan3A_4  : i32 {
      %dma_start3A = arith.constant 256 : i32
      %dma_start3A_12 = tpu.memref_slice %arg8[%scan3A_11, %dma_start3A] : memref<32x640xi32, #tpu.memory_space<vmem>> -> memref<1x384xi32, #tpu.memory_space<vmem>>
      %dma_start3A_13 = tpu.memref_squeeze %dma_start3A_12 : memref<1x384xi32, #tpu.memory_space<vmem>> -> memref<384xi32, #tpu.memory_space<vmem>>
      %dma_start3A_14 = arith.constant 0 : i32
      %dma_start3A_15 = arith.constant 0 : i32
      %dma_start3A_16 = tpu.memref_slice %arg2[%dma_start3A_14, %dma_start3A_15] : memref<20480x64xf32, #tpu.memory_space<hbm>> -> memref<20480x64xf32, #tpu.memory_space<hbm>>
      tpu.enqueue_indirect_dma source(%dma_start3A_16 : memref<20480x64xf32, #tpu.memory_space<hbm>>) target(%arg12 : memref<384x64xf32, #tpu.memory_space<vmem>>) offsets(%dma_start3A_13 : memref<384xi32, #tpu.memory_space<vmem>>) semaphore(%arg14 : memref<!tpu.dma_semaphore, #tpu.memory_space<semaphore_mem>>)
      "tpu.region"() ({
        %run_scoped3A = tpu.sem_alloc : memref<!tpu.dma_semaphore, #tpu.memory_space<semaphore_mem>>
        %dma_start3A_34 = arith.constant 0 : i32
        %dma_start3A_35 = tpu.memref_slice %arg8[%scan3A_11, %dma_start3A_34] : memref<32x640xi32, #tpu.memory_space<vmem>> -> memref<1x256xi32, #tpu.memory_space<vmem>>
        %dma_start3A_36 = tpu.memref_squeeze %dma_start3A_35 : memref<1x256xi32, #tpu.memory_space<vmem>> -> memref<256xi32, #tpu.memory_space<vmem>>
        %dma_start3A_37 = arith.constant 0 : i32
        %dma_start3A_38 = arith.constant 0 : i32
        %dma_start3A_39 = tpu.memref_slice %arg2[%dma_start3A_37, %dma_start3A_38] : memref<20480x64xf32, #tpu.memory_space<hbm>> -> memref<20480x64xf32, #tpu.memory_space<hbm>>
        tpu.enqueue_indirect_dma source(%dma_start3A_39 : memref<20480x64xf32, #tpu.memory_space<hbm>>) target(%arg11 : memref<256x64xf32, #tpu.memory_space<vmem>>) offsets(%dma_start3A_36 : memref<256xi32, #tpu.memory_space<vmem>>) semaphore(%run_scoped3A : memref<!tpu.dma_semaphore, #tpu.memory_space<semaphore_mem>>)
        %dma_wait3A_40 = arith.constant 0 : i32
        %dma_wait3A_41 = tpu.memref_slice %arg8[%scan3A_11, %dma_wait3A_40] : memref<32x640xi32, #tpu.memory_space<vmem>> -> memref<1x256xi32, #tpu.memory_space<vmem>>
        %dma_wait3A_42 = tpu.memref_squeeze %dma_wait3A_41 : memref<1x256xi32, #tpu.memory_space<vmem>> -> memref<256xi32, #tpu.memory_space<vmem>>
        %dma_wait3A_43 = arith.constant 0 : i32
        %dma_wait3A_44 = arith.constant 0 : i32
        %dma_wait3A_45 = tpu.memref_slice %arg2[%dma_wait3A_43, %dma_wait3A_44] : memref<20480x64xf32, #tpu.memory_space<hbm>> -> memref<20480x64xf32, #tpu.memory_space<hbm>>
        tpu.wait_indirect_dma semaphore(%run_scoped3A : memref<!tpu.dma_semaphore, #tpu.memory_space<semaphore_mem>>) src(%dma_wait3A_45 : memref<20480x64xf32, #tpu.memory_space<hbm>>) dst(%arg11 : memref<256x64xf32, #tpu.memory_space<vmem>>)
        tpu.yield
      }) : () -> ()
      %dma_start3A_17 = arith.constant 0 : i32
      %dma_start3A_18 = tpu.memref_slice %arg9[%scan3A_11, %dma_start3A_17] : memref<32x256xi32, #tpu.memory_space<vmem>> -> memref<1x256xi32, #tpu.memory_space<vmem>>
      %dma_start3A_19 = tpu.memref_squeeze %dma_start3A_18 : memref<1x256xi32, #tpu.memory_space<vmem>> -> memref<256xi32, #tpu.memory_space<vmem>>
      %dma_start3A_20 = arith.constant 0 : i32
      %dma_start3A_21 = arith.constant 0 : i32
      %dma_start3A_22 = tpu.memref_slice %arg13[%dma_start3A_20, %dma_start3A_21] : memref<10240x64xf32, #tpu.memory_space<vmem_shared>> -> memref<10240x64xf32, #tpu.memory_space<vmem_shared>>
      tpu.enqueue_indirect_dma source(%arg11 : memref<256x64xf32, #tpu.memory_space<vmem>>) target(%dma_start3A_22 : memref<10240x64xf32, #tpu.memory_space<vmem_shared>>) offsets(%dma_start3A_19 : memref<256xi32, #tpu.memory_space<vmem>>) semaphore(%arg15 : memref<!tpu.dma_semaphore, #tpu.memory_space<semaphore_mem>>) {add = true}
      %dma_wait3A = arith.constant 256 : i32
      %dma_wait3A_23 = tpu.memref_slice %arg8[%scan3A_11, %dma_wait3A] : memref<32x640xi32, #tpu.memory_space<vmem>> -> memref<1x384xi32, #tpu.memory_space<vmem>>
      %dma_wait3A_24 = tpu.memref_squeeze %dma_wait3A_23 : memref<1x384xi32, #tpu.memory_space<vmem>> -> memref<384xi32, #tpu.memory_space<vmem>>
      %dma_wait3A_25 = arith.constant 0 : i32
      %dma_wait3A_26 = arith.constant 0 : i32
      %dma_wait3A_27 = tpu.memref_slice %arg2[%dma_wait3A_25, %dma_wait3A_26] : memref<20480x64xf32, #tpu.memory_space<hbm>> -> memref<20480x64xf32, #tpu.memory_space<hbm>>
      tpu.wait_indirect_dma semaphore(%arg14 : memref<!tpu.dma_semaphore, #tpu.memory_space<semaphore_mem>>) src(%dma_wait3A_27 : memref<20480x64xf32, #tpu.memory_space<hbm>>) dst(%arg12 : memref<384x64xf32, #tpu.memory_space<vmem>>)
      "tpu.region"() ({
        %run_scoped3A = tpu.sem_alloc : memref<!tpu.dma_semaphore, #tpu.memory_space<semaphore_mem>>
        %dma_start3A_34 = arith.constant 0 : i32
        %dma_start3A_35 = tpu.memref_slice %arg10[%scan3A_11, %dma_start3A_34] : memref<32x384xi32, #tpu.memory_space<vmem>> -> memref<1x384xi32, #tpu.memory_space<vmem>>
        %dma_start3A_36 = tpu.memref_squeeze %dma_start3A_35 : memref<1x384xi32, #tpu.memory_space<vmem>> -> memref<384xi32, #tpu.memory_space<vmem>>
        %dma_start3A_37 = arith.constant 0 : i32
        %dma_start3A_38 = arith.constant 0 : i32
        %dma_start3A_39 = tpu.memref_slice %arg13[%dma_start3A_37, %dma_start3A_38] : memref<10240x64xf32, #tpu.memory_space<vmem_shared>> -> memref<10240x64xf32, #tpu.memory_space<vmem_shared>>
        tpu.enqueue_indirect_dma source(%arg12 : memref<384x64xf32, #tpu.memory_space<vmem>>) target(%dma_start3A_39 : memref<10240x64xf32, #tpu.memory_space<vmem_shared>>) offsets(%dma_start3A_36 : memref<384xi32, #tpu.memory_space<vmem>>) semaphore(%run_scoped3A : memref<!tpu.dma_semaphore, #tpu.memory_space<semaphore_mem>>) {add = true}
        %dma_wait3A_40 = arith.constant 0 : i32
        %dma_wait3A_41 = tpu.memref_slice %arg10[%scan3A_11, %dma_wait3A_40] : memref<32x384xi32, #tpu.memory_space<vmem>> -> memref<1x384xi32, #tpu.memory_space<vmem>>
        %dma_wait3A_42 = tpu.memref_squeeze %dma_wait3A_41 : memref<1x384xi32, #tpu.memory_space<vmem>> -> memref<384xi32, #tpu.memory_space<vmem>>
        %dma_wait3A_43 = arith.constant 0 : i32
        %dma_wait3A_44 = arith.constant 0 : i32
        %dma_wait3A_45 = tpu.memref_slice %arg13[%dma_wait3A_43, %dma_wait3A_44] : memref<10240x64xf32, #tpu.memory_space<vmem_shared>> -> memref<10240x64xf32, #tpu.memory_space<vmem_shared>>
        tpu.wait_indirect_dma semaphore(%run_scoped3A : memref<!tpu.dma_semaphore, #tpu.memory_space<semaphore_mem>>) src(%arg12 : memref<384x64xf32, #tpu.memory_space<vmem>>) dst(%dma_wait3A_45 : memref<10240x64xf32, #tpu.memory_space<vmem_shared>>)
        tpu.yield
      }) : () -> ()
      %dma_wait3A_28 = arith.constant 0 : i32
      %dma_wait3A_29 = tpu.memref_slice %arg9[%scan3A_11, %dma_wait3A_28] : memref<32x256xi32, #tpu.memory_space<vmem>> -> memref<1x256xi32, #tpu.memory_space<vmem>>
      %dma_wait3A_30 = tpu.memref_squeeze %dma_wait3A_29 : memref<1x256xi32, #tpu.memory_space<vmem>> -> memref<256xi32, #tpu.memory_space<vmem>>
      %dma_wait3A_31 = arith.constant 0 : i32
      %dma_wait3A_32 = arith.constant 0 : i32
      %dma_wait3A_33 = tpu.memref_slice %arg13[%dma_wait3A_31, %dma_wait3A_32] : memref<10240x64xf32, #tpu.memory_space<vmem_shared>> -> memref<10240x64xf32, #tpu.memory_space<vmem_shared>>
      tpu.wait_indirect_dma semaphore(%arg15 : memref<!tpu.dma_semaphore, #tpu.memory_space<semaphore_mem>>) src(%arg11 : memref<256x64xf32, #tpu.memory_space<vmem>>) dst(%dma_wait3A_33 : memref<10240x64xf32, #tpu.memory_space<vmem_shared>>)
    }
    %scan3A_5 = arith.constant 32 : i32
    %barrier3A_6 = arith.constant 0 : index
    tpu.barrier barrier_id(%barrier3A_6)
    %mul3A_7 = arith.constant 640 : i32
    %mul3A_8 = arith.muli %arg1, %mul3A_7 : i32
    %mul3A_9 = arith.constant 640 : i32
    %mul3A_10 = arith.muli %arg1, %mul3A_9 : i32
    "tpu.region"() ({
      %run_scoped3A = tpu.sem_alloc : memref<!tpu.dma_semaphore, #tpu.memory_space<semaphore_mem>>
      %dma_start3A = arith.constant 0 : i32
      %dma_start3A_11 = tpu.memref_slice %arg7[%arg0, %mul3A_10, %dma_start3A] : memref<2x10240x64xf32, #tpu.memory_space<hbm>> -> memref<1x640x64xf32, #tpu.memory_space<hbm>>
      %dma_start3A_12 = tpu.memref_squeeze %dma_start3A_11 : memref<1x640x64xf32, #tpu.memory_space<hbm>> -> memref<640x64xf32, #tpu.memory_space<hbm>>
      %dma_start3A_13 = arith.constant 0 : i32
      %dma_start3A_14 = tpu.memref_slice %arg13[%mul3A_8, %dma_start3A_13] : memref<10240x64xf32, #tpu.memory_space<vmem_shared>> -> memref<640x64xf32, #tpu.memory_space<vmem_shared>>
      tpu.enqueue_dma source(%dma_start3A_14 : memref<640x64xf32, #tpu.memory_space<vmem_shared>>) target(%dma_start3A_12 : memref<640x64xf32, #tpu.memory_space<hbm>>) target_semaphore(%run_scoped3A : memref<!tpu.dma_semaphore, #tpu.memory_space<semaphore_mem>>)
      %dma_wait3A = arith.constant 0 : i32
      %dma_wait3A_15 = tpu.memref_slice %arg7[%arg0, %mul3A_10, %dma_wait3A] : memref<2x10240x64xf32, #tpu.memory_space<hbm>> -> memref<1x640x64xf32, #tpu.memory_space<hbm>>
      %dma_wait3A_16 = tpu.memref_squeeze %dma_wait3A_15 : memref<1x640x64xf32, #tpu.memory_space<hbm>> -> memref<640x64xf32, #tpu.memory_space<hbm>>
      %dma_wait3A_17 = arith.constant 0 : i32
      %dma_wait3A_18 = tpu.memref_slice %arg13[%mul3A_8, %dma_wait3A_17] : memref<10240x64xf32, #tpu.memory_space<vmem_shared>> -> memref<640x64xf32, #tpu.memory_space<vmem_shared>>
      tpu.wait_dma2 semaphore(%run_scoped3A : memref<!tpu.dma_semaphore, #tpu.memory_space<semaphore_mem>>) src(%dma_wait3A_18 : memref<640x64xf32, #tpu.memory_space<vmem_shared>>) dst(%dma_wait3A_16 : memref<640x64xf32, #tpu.memory_space<hbm>>)
      tpu.yield
    }) : () -> ()
    return
  }
}

module attributes {stable_mosaic.version = 14 : i64} {
  func.func @_tc_scale_body(%arg0: i32, %arg1: memref<2x2048x16xf32, #tpu.memory_space<vmem>>, %arg2: memref<2048x128xf32, #tpu.memory_space<vmem>>, %arg3: memref<2x2048x64xf32, #tpu.memory_space<vmem>>) attributes {dimension_semantics = [#tpu.dimension_semantics<arbitrary>], iteration_bounds = array<i64: 5>, scalar_prefetch = 0 : i64, scratch_operands = 0 : i64, tpu.core_type = #tpu.core_type<tc>, window_params = [{transform_indices = @transform_0, window_bounds = array<i64: 2, 2048, 16>}, {transform_indices = @transform_1, window_bounds = array<i64: 2048, 128>}, {transform_indices = @transform_2, window_bounds = array<i64: 2, 2048, 64>}]} {
    %get3A = arith.constant 0 : index
    %get3A_0 = arith.constant 0 : index
    %get3A_1 = arith.constant 0 : index
    %get3A_2 = vector.load %arg1[%get3A, %get3A_0, %get3A_1] : memref<2x2048x16xf32, #tpu.memory_space<vmem>>, vector<1x2048x16xf32>
    %get3A_3 = vector.shape_cast %get3A_2 : vector<1x2048x16xf32> to vector<2048x16xf32>
    %slice3A = vector.extract_strided_slice %get3A_3 {offsets = [0, 0], sizes = [2048, 1], strides = [1, 1]} : vector<2048x16xf32> to vector<2048x1xf32>
    %get3A_4 = arith.constant 1 : index
    %get3A_5 = arith.constant 0 : index
    %get3A_6 = arith.constant 0 : index
    %get3A_7 = vector.load %arg1[%get3A_4, %get3A_5, %get3A_6] : memref<2x2048x16xf32, #tpu.memory_space<vmem>>, vector<1x2048x16xf32>
    %get3A_8 = vector.shape_cast %get3A_7 : vector<1x2048x16xf32> to vector<2048x16xf32>
    %slice3A_9 = vector.extract_strided_slice %get3A_8 {offsets = [0, 0], sizes = [2048, 1], strides = [1, 1]} : vector<2048x16xf32> to vector<2048x1xf32>
    %add3A = arith.addf %slice3A, %slice3A_9 : vector<2048x1xf32>
    %add3A_10 = arith.constant 1.000000e+00 : f32
    %add3A_11 = vector.broadcast %add3A_10 : f32 to vector<2048x1xf32>
    %add3A_12 = arith.addf %add3A, %add3A_11 : vector<2048x1xf32>
    %rsqrt3A = math.rsqrt %add3A_12 : vector<2048x1xf32>
    %get3A_13 = arith.constant 0 : index
    %get3A_14 = arith.constant 0 : index
    %get3A_15 = vector.load %arg2[%get3A_13, %get3A_14] : memref<2048x128xf32, #tpu.memory_space<vmem>>, vector<2048x128xf32>
    %mul3A = vector.broadcast %rsqrt3A : vector<2048x1xf32> to vector<2048x128xf32>
    %mul3A_16 = arith.mulf %get3A_15, %mul3A : vector<2048x128xf32>
    %slice3A_17 = vector.extract_strided_slice %mul3A_16 {offsets = [0, 0], sizes = [2048, 64], strides = [1, 1]} : vector<2048x128xf32> to vector<2048x64xf32>
    %swap3A = arith.constant 0 : index
    %swap3A_18 = arith.constant 0 : index
    %swap3A_19 = arith.constant 0 : index
    %swap3A_20 = vector.load %arg3[%swap3A, %swap3A_18, %swap3A_19] : memref<2x2048x64xf32, #tpu.memory_space<vmem>>, vector<1x2048x64xf32>
    %swap3A_21 = vector.shape_cast %swap3A_20 : vector<1x2048x64xf32> to vector<2048x64xf32>
    %swap3A_22 = vector.shape_cast %slice3A_17 : vector<2048x64xf32> to vector<1x2048x64xf32>
    tpu.vector_store %arg3[%swap3A, %swap3A_18, %swap3A_19], %swap3A_22 {strides = array<i32>} : memref<2x2048x64xf32, #tpu.memory_space<vmem>>, vector<1x2048x64xf32>,
    %slice3A_23 = vector.extract_strided_slice %mul3A_16 {offsets = [0, 64], sizes = [2048, 64], strides = [1, 1]} : vector<2048x128xf32> to vector<2048x64xf32>
    %swap3A_24 = arith.constant 1 : index
    %swap3A_25 = arith.constant 0 : index
    %swap3A_26 = arith.constant 0 : index
    %swap3A_27 = vector.load %arg3[%swap3A_24, %swap3A_25, %swap3A_26] : memref<2x2048x64xf32, #tpu.memory_space<vmem>>, vector<1x2048x64xf32>
    %swap3A_28 = vector.shape_cast %swap3A_27 : vector<1x2048x64xf32> to vector<2048x64xf32>
    %swap3A_29 = vector.shape_cast %slice3A_23 : vector<2048x64xf32> to vector<1x2048x64xf32>
    tpu.vector_store %arg3[%swap3A_24, %swap3A_25, %swap3A_26], %swap3A_29 {strides = array<i32>} : memref<2x2048x64xf32, #tpu.memory_space<vmem>>, vector<1x2048x64xf32>,
    return
  }
  func.func @transform_0(%arg0: i32) -> (i32, i32, i32) {
    %c0_i32 = arith.constant 0 : i32
    %c0_i32_0 = arith.constant 0 : i32
    %c0_i32_1 = arith.constant 0 : i32
    return %c0_i32, %arg0, %c0_i32_0 : i32, i32, i32
  }
  func.func @transform_1(%arg0: i32) -> (i32, i32) {
    %c0_i32 = arith.constant 0 : i32
    %c0_i32_0 = arith.constant 0 : i32
    return %arg0, %c0_i32 : i32, i32
  }
  func.func @transform_2(%arg0: i32) -> (i32, i32, i32) {
    %c0_i32 = arith.constant 0 : i32
    %c0_i32_0 = arith.constant 0 : i32
    %c0_i32_1 = arith.constant 0 : i32
    return %c0_i32, %arg0, %c0_i32_0 : i32, i32, i32
  }
}

module attributes {stable_mosaic.version = 14 : i64} {
  func.func @_tc_hidden_body(%arg0: i32, %arg1: memref<2x2048x64xf32, #tpu.memory_space<vmem>>, %arg2: memref<2x2048x64xf32, #tpu.memory_space<vmem>>, %arg3: memref<2x2048x16xf32, #tpu.memory_space<vmem>>, %arg4: memref<128x128xf32, #tpu.memory_space<vmem>>, %arg5: memref<1x128xf32, #tpu.memory_space<vmem>>, %arg6: memref<2x2048x64xf32, #tpu.memory_space<vmem>>) attributes {dimension_semantics = [#tpu.dimension_semantics<arbitrary>], iteration_bounds = array<i64: 5>, scalar_prefetch = 0 : i64, scratch_operands = 0 : i64, tpu.core_type = #tpu.core_type<tc>, window_params = [{transform_indices = @transform_0, window_bounds = array<i64: 2, 2048, 64>}, {transform_indices = @transform_1, window_bounds = array<i64: 2, 2048, 64>}, {transform_indices = @transform_2, window_bounds = array<i64: 2, 2048, 16>}, {pipeline_mode = #tpu.pipeline_mode<synchronous>, transform_indices = @transform_3, window_bounds = array<i64: 128, 128>}, {pipeline_mode = #tpu.pipeline_mode<synchronous>, transform_indices = @transform_4, window_bounds = array<i64: 1, 128>}, {transform_indices = @transform_5, window_bounds = array<i64: 2, 2048, 64>}]} {
    %get3A = arith.constant 0 : index
    %get3A_0 = arith.constant 0 : index
    %get3A_1 = arith.constant 0 : index
    %get3A_2 = vector.load %arg3[%get3A, %get3A_0, %get3A_1] : memref<2x2048x16xf32, #tpu.memory_space<vmem>>, vector<1x2048x16xf32>
    %get3A_3 = vector.shape_cast %get3A_2 : vector<1x2048x16xf32> to vector<2048x16xf32>
    %slice3A = vector.extract_strided_slice %get3A_3 {offsets = [0, 0], sizes = [2048, 1], strides = [1, 1]} : vector<2048x16xf32> to vector<2048x1xf32>
    %get3A_4 = arith.constant 1 : index
    %get3A_5 = arith.constant 0 : index
    %get3A_6 = arith.constant 0 : index
    %get3A_7 = vector.load %arg3[%get3A_4, %get3A_5, %get3A_6] : memref<2x2048x16xf32, #tpu.memory_space<vmem>>, vector<1x2048x16xf32>
    %get3A_8 = vector.shape_cast %get3A_7 : vector<1x2048x16xf32> to vector<2048x16xf32>
    %slice3A_9 = vector.extract_strided_slice %get3A_8 {offsets = [0, 0], sizes = [2048, 1], strides = [1, 1]} : vector<2048x16xf32> to vector<2048x1xf32>
    %add3A = arith.addf %slice3A, %slice3A_9 : vector<2048x1xf32>
    %add3A_10 = arith.constant 1.000000e+00 : f32
    %add3A_11 = vector.broadcast %add3A_10 : f32 to vector<2048x1xf32>
    %add3A_12 = arith.addf %add3A, %add3A_11 : vector<2048x1xf32>
    %rsqrt3A = math.rsqrt %add3A_12 : vector<2048x1xf32>
    %get3A_13 = arith.constant 0 : index
    %get3A_14 = arith.constant 0 : index
    %get3A_15 = arith.constant 0 : index
    %get3A_16 = vector.load %arg1[%get3A_13, %get3A_14, %get3A_15] : memref<2x2048x64xf32, #tpu.memory_space<vmem>>, vector<1x2048x64xf32>
    %get3A_17 = vector.shape_cast %get3A_16 : vector<1x2048x64xf32> to vector<2048x64xf32>
    %get3A_18 = arith.constant 0 : index
    %get3A_19 = arith.constant 0 : index
    %get3A_20 = arith.constant 0 : index
    %get3A_21 = vector.load %arg2[%get3A_18, %get3A_19, %get3A_20] : memref<2x2048x64xf32, #tpu.memory_space<vmem>>, vector<1x2048x64xf32>
    %get3A_22 = vector.shape_cast %get3A_21 : vector<1x2048x64xf32> to vector<2048x64xf32>
    %add3A_23 = arith.addf %get3A_17, %get3A_22 : vector<2048x64xf32>
    %get3A_24 = arith.constant 1 : index
    %get3A_25 = arith.constant 0 : index
    %get3A_26 = arith.constant 0 : index
    %get3A_27 = vector.load %arg1[%get3A_24, %get3A_25, %get3A_26] : memref<2x2048x64xf32, #tpu.memory_space<vmem>>, vector<1x2048x64xf32>
    %get3A_28 = vector.shape_cast %get3A_27 : vector<1x2048x64xf32> to vector<2048x64xf32>
    %get3A_29 = arith.constant 1 : index
    %get3A_30 = arith.constant 0 : index
    %get3A_31 = arith.constant 0 : index
    %get3A_32 = vector.load %arg2[%get3A_29, %get3A_30, %get3A_31] : memref<2x2048x64xf32, #tpu.memory_space<vmem>>, vector<1x2048x64xf32>
    %get3A_33 = vector.shape_cast %get3A_32 : vector<1x2048x64xf32> to vector<2048x64xf32>
    %add3A_34 = arith.addf %get3A_28, %get3A_33 : vector<2048x64xf32>
    %concatenate3A = tpu.concatenate %add3A_23, %add3A_34 in 1 : vector<2048x64xf32>, vector<2048x64xf32> -> vector<2048x128xf32>
    %mul3A = vector.broadcast %rsqrt3A : vector<2048x1xf32> to vector<2048x128xf32>
    %mul3A_35 = arith.mulf %concatenate3A, %mul3A : vector<2048x128xf32>
    %get3A_36 = arith.constant 0 : index
    %get3A_37 = arith.constant 0 : index
    %get3A_38 = vector.load %arg4[%get3A_36, %get3A_37] : memref<128x128xf32, #tpu.memory_space<vmem>>, vector<128x128xf32>
    %dot_general3A = arith.constant dense<0.000000e+00> : vector<2048x128xf32>
    %dot_general3A_39 = tpu.matmul %mul3A_35, %get3A_38, %dot_general3A {dimension_numbers = #tpu.dot_dimension_numbers<[1], [0], [0], [1], [0, 0, 1, 1], [], []>, transpose_lhs_hint = false} : vector<2048x128xf32>, vector<128x128xf32>, vector<2048x128xf32> -> vector<2048x128xf32>
    %get3A_40 = arith.constant 0 : index
    %get3A_41 = arith.constant 0 : index
    %get3A_42 = vector.load %arg5[%get3A_40, %get3A_41] : memref<1x128xf32, #tpu.memory_space<vmem>>, vector<1x128xf32>
    %add3A_43 = vector.broadcast %get3A_42 : vector<1x128xf32> to vector<2048x128xf32>
    %add3A_44 = arith.addf %dot_general3A_39, %add3A_43 : vector<2048x128xf32>
    %max3A = arith.constant 0.000000e+00 : f32
    %max3A_45 = vector.broadcast %max3A : f32 to vector<2048x128xf32>
    %max3A_46 = arith.maximumf %add3A_44, %max3A_45 : vector<2048x128xf32>
    %mul3A_47 = vector.broadcast %rsqrt3A : vector<2048x1xf32> to vector<2048x128xf32>
    %mul3A_48 = arith.mulf %max3A_46, %mul3A_47 : vector<2048x128xf32>
    %slice3A_49 = vector.extract_strided_slice %mul3A_48 {offsets = [0, 0], sizes = [2048, 64], strides = [1, 1]} : vector<2048x128xf32> to vector<2048x64xf32>
    %swap3A = arith.constant 0 : index
    %swap3A_50 = arith.constant 0 : index
    %swap3A_51 = arith.constant 0 : index
    %swap3A_52 = vector.load %arg6[%swap3A, %swap3A_50, %swap3A_51] : memref<2x2048x64xf32, #tpu.memory_space<vmem>>, vector<1x2048x64xf32>
    %swap3A_53 = vector.shape_cast %swap3A_52 : vector<1x2048x64xf32> to vector<2048x64xf32>
    %swap3A_54 = vector.shape_cast %slice3A_49 : vector<2048x64xf32> to vector<1x2048x64xf32>
    tpu.vector_store %arg6[%swap3A, %swap3A_50, %swap3A_51], %swap3A_54 {strides = array<i32>} : memref<2x2048x64xf32, #tpu.memory_space<vmem>>, vector<1x2048x64xf32>,
    %slice3A_55 = vector.extract_strided_slice %mul3A_48 {offsets = [0, 64], sizes = [2048, 64], strides = [1, 1]} : vector<2048x128xf32> to vector<2048x64xf32>
    %swap3A_56 = arith.constant 1 : index
    %swap3A_57 = arith.constant 0 : index
    %swap3A_58 = arith.constant 0 : index
    %swap3A_59 = vector.load %arg6[%swap3A_56, %swap3A_57, %swap3A_58] : memref<2x2048x64xf32, #tpu.memory_space<vmem>>, vector<1x2048x64xf32>
    %swap3A_60 = vector.shape_cast %swap3A_59 : vector<1x2048x64xf32> to vector<2048x64xf32>
    %swap3A_61 = vector.shape_cast %slice3A_55 : vector<2048x64xf32> to vector<1x2048x64xf32>
    tpu.vector_store %arg6[%swap3A_56, %swap3A_57, %swap3A_58], %swap3A_61 {strides = array<i32>} : memref<2x2048x64xf32, #tpu.memory_space<vmem>>, vector<1x2048x64xf32>,
    return
  }
  func.func @transform_0(%arg0: i32) -> (i32, i32, i32) {
    %c0_i32 = arith.constant 0 : i32
    %c0_i32_0 = arith.constant 0 : i32
    %c0_i32_1 = arith.constant 0 : i32
    return %c0_i32, %arg0, %c0_i32_0 : i32, i32, i32
  }
  func.func @transform_1(%arg0: i32) -> (i32, i32, i32) {
    %c0_i32 = arith.constant 0 : i32
    %c0_i32_0 = arith.constant 0 : i32
    %c0_i32_1 = arith.constant 0 : i32
    return %c0_i32, %arg0, %c0_i32_0 : i32, i32, i32
  }
  func.func @transform_2(%arg0: i32) -> (i32, i32, i32) {
    %c0_i32 = arith.constant 0 : i32
    %c0_i32_0 = arith.constant 0 : i32
    %c0_i32_1 = arith.constant 0 : i32
    return %c0_i32, %arg0, %c0_i32_0 : i32, i32, i32
  }
  func.func @transform_3(%arg0: i32) -> (i32, i32) {
    %c0_i32 = arith.constant 0 : i32
    %c0_i32_0 = arith.constant 0 : i32
    %c0_i32_1 = arith.constant 0 : i32
    return %c0_i32, %c0_i32_0 : i32, i32
  }
  func.func @transform_4(%arg0: i32) -> (i32, i32) {
    %c0_i32 = arith.constant 0 : i32
    %c0_i32_0 = arith.constant 0 : i32
    %c0_i32_1 = arith.constant 0 : i32
    return %c0_i32, %c0_i32_0 : i32, i32
  }
  func.func @transform_5(%arg0: i32) -> (i32, i32, i32) {
    %c0_i32 = arith.constant 0 : i32
    %c0_i32_0 = arith.constant 0 : i32
    %c0_i32_1 = arith.constant 0 : i32
    return %c0_i32, %arg0, %c0_i32_0 : i32, i32, i32
  }
}

module attributes {stable_mosaic.version = 14 : i64} {
  func.func @_tc_out_body(%arg0: i32, %arg1: memref<2x2048x64xf32, #tpu.memory_space<vmem>>, %arg2: memref<2x2048x64xf32, #tpu.memory_space<vmem>>, %arg3: memref<2x2048x16xf32, #tpu.memory_space<vmem>>, %arg4: memref<128x64xf32, #tpu.memory_space<vmem>>, %arg5: memref<1x64xf32, #tpu.memory_space<vmem>>, %arg6: memref<128x64xf32, #tpu.memory_space<vmem>>, %arg7: memref<1x64xf32, #tpu.memory_space<vmem>>, %arg8: memref<2048x64xf32, #tpu.memory_space<vmem>>, %arg9: memref<2048x64xf32, #tpu.memory_space<vmem>>) attributes {dimension_semantics = [#tpu.dimension_semantics<arbitrary>], iteration_bounds = array<i64: 5>, scalar_prefetch = 0 : i64, scratch_operands = 0 : i64, tpu.core_type = #tpu.core_type<tc>, window_params = [{transform_indices = @transform_0, window_bounds = array<i64: 2, 2048, 64>}, {transform_indices = @transform_1, window_bounds = array<i64: 2, 2048, 64>}, {transform_indices = @transform_2, window_bounds = array<i64: 2, 2048, 16>}, {pipeline_mode = #tpu.pipeline_mode<synchronous>, transform_indices = @transform_3, window_bounds = array<i64: 128, 64>}, {pipeline_mode = #tpu.pipeline_mode<synchronous>, transform_indices = @transform_4, window_bounds = array<i64: 1, 64>}, {pipeline_mode = #tpu.pipeline_mode<synchronous>, transform_indices = @transform_5, window_bounds = array<i64: 128, 64>}, {pipeline_mode = #tpu.pipeline_mode<synchronous>, transform_indices = @transform_6, window_bounds = array<i64: 1, 64>}, {transform_indices = @transform_7, window_bounds = array<i64: 2048, 64>}, {transform_indices = @transform_8, window_bounds = array<i64: 2048, 64>}]} {
    %get3A = arith.constant 0 : index
    %get3A_0 = arith.constant 0 : index
    %get3A_1 = arith.constant 0 : index
    %get3A_2 = vector.load %arg3[%get3A, %get3A_0, %get3A_1] : memref<2x2048x16xf32, #tpu.memory_space<vmem>>, vector<1x2048x16xf32>
    %get3A_3 = vector.shape_cast %get3A_2 : vector<1x2048x16xf32> to vector<2048x16xf32>
    %slice3A = vector.extract_strided_slice %get3A_3 {offsets = [0, 0], sizes = [2048, 1], strides = [1, 1]} : vector<2048x16xf32> to vector<2048x1xf32>
    %get3A_4 = arith.constant 1 : index
    %get3A_5 = arith.constant 0 : index
    %get3A_6 = arith.constant 0 : index
    %get3A_7 = vector.load %arg3[%get3A_4, %get3A_5, %get3A_6] : memref<2x2048x16xf32, #tpu.memory_space<vmem>>, vector<1x2048x16xf32>
    %get3A_8 = vector.shape_cast %get3A_7 : vector<1x2048x16xf32> to vector<2048x16xf32>
    %slice3A_9 = vector.extract_strided_slice %get3A_8 {offsets = [0, 0], sizes = [2048, 1], strides = [1, 1]} : vector<2048x16xf32> to vector<2048x1xf32>
    %add3A = arith.addf %slice3A, %slice3A_9 : vector<2048x1xf32>
    %add3A_10 = arith.constant 1.000000e+00 : f32
    %add3A_11 = vector.broadcast %add3A_10 : f32 to vector<2048x1xf32>
    %add3A_12 = arith.addf %add3A, %add3A_11 : vector<2048x1xf32>
    %rsqrt3A = math.rsqrt %add3A_12 : vector<2048x1xf32>
    %get3A_13 = arith.constant 0 : index
    %get3A_14 = arith.constant 0 : index
    %get3A_15 = arith.constant 0 : index
    %get3A_16 = vector.load %arg1[%get3A_13, %get3A_14, %get3A_15] : memref<2x2048x64xf32, #tpu.memory_space<vmem>>, vector<1x2048x64xf32>
    %get3A_17 = vector.shape_cast %get3A_16 : vector<1x2048x64xf32> to vector<2048x64xf32>
    %get3A_18 = arith.constant 0 : index
    %get3A_19 = arith.constant 0 : index
    %get3A_20 = arith.constant 0 : index
    %get3A_21 = vector.load %arg2[%get3A_18, %get3A_19, %get3A_20] : memref<2x2048x64xf32, #tpu.memory_space<vmem>>, vector<1x2048x64xf32>
    %get3A_22 = vector.shape_cast %get3A_21 : vector<1x2048x64xf32> to vector<2048x64xf32>
    %add3A_23 = arith.addf %get3A_17, %get3A_22 : vector<2048x64xf32>
    %get3A_24 = arith.constant 1 : index
    %get3A_25 = arith.constant 0 : index
    %get3A_26 = arith.constant 0 : index
    %get3A_27 = vector.load %arg1[%get3A_24, %get3A_25, %get3A_26] : memref<2x2048x64xf32, #tpu.memory_space<vmem>>, vector<1x2048x64xf32>
    %get3A_28 = vector.shape_cast %get3A_27 : vector<1x2048x64xf32> to vector<2048x64xf32>
    %get3A_29 = arith.constant 1 : index
    %get3A_30 = arith.constant 0 : index
    %get3A_31 = arith.constant 0 : index
    %get3A_32 = vector.load %arg2[%get3A_29, %get3A_30, %get3A_31] : memref<2x2048x64xf32, #tpu.memory_space<vmem>>, vector<1x2048x64xf32>
    %get3A_33 = vector.shape_cast %get3A_32 : vector<1x2048x64xf32> to vector<2048x64xf32>
    %add3A_34 = arith.addf %get3A_28, %get3A_33 : vector<2048x64xf32>
    %concatenate3A = tpu.concatenate %add3A_23, %add3A_34 in 1 : vector<2048x64xf32>, vector<2048x64xf32> -> vector<2048x128xf32>
    %mul3A = vector.broadcast %rsqrt3A : vector<2048x1xf32> to vector<2048x128xf32>
    %mul3A_35 = arith.mulf %concatenate3A, %mul3A : vector<2048x128xf32>
    %get3A_36 = arith.constant 0 : index
    %get3A_37 = arith.constant 0 : index
    %get3A_38 = vector.load %arg4[%get3A_36, %get3A_37] : memref<128x64xf32, #tpu.memory_space<vmem>>, vector<128x64xf32>
    %dot_general3A = arith.constant dense<0.000000e+00> : vector<2048x64xf32>
    %dot_general3A_39 = tpu.matmul %mul3A_35, %get3A_38, %dot_general3A {dimension_numbers = #tpu.dot_dimension_numbers<[1], [0], [0], [1], [0, 0, 1, 1], [], []>, transpose_lhs_hint = false} : vector<2048x128xf32>, vector<128x64xf32>, vector<2048x64xf32> -> vector<2048x64xf32>
    %get3A_40 = arith.constant 0 : index
    %get3A_41 = arith.constant 0 : index
    %get3A_42 = vector.load %arg5[%get3A_40, %get3A_41] : memref<1x64xf32, #tpu.memory_space<vmem>>, vector<1x64xf32>
    %add3A_43 = vector.broadcast %get3A_42 : vector<1x64xf32> to vector<2048x64xf32>
    %add3A_44 = arith.addf %dot_general3A_39, %add3A_43 : vector<2048x64xf32>
    %swap3A = arith.constant 0 : index
    %swap3A_45 = arith.constant 0 : index
    %swap3A_46 = vector.load %arg8[%swap3A, %swap3A_45] : memref<2048x64xf32, #tpu.memory_space<vmem>>, vector<2048x64xf32>
    tpu.vector_store %arg8[%swap3A, %swap3A_45], %add3A_44 {strides = array<i32>} : memref<2048x64xf32, #tpu.memory_space<vmem>>, vector<2048x64xf32>,
    %get3A_47 = arith.constant 0 : index
    %get3A_48 = arith.constant 0 : index
    %get3A_49 = vector.load %arg6[%get3A_47, %get3A_48] : memref<128x64xf32, #tpu.memory_space<vmem>>, vector<128x64xf32>
    %dot_general3A_50 = arith.constant dense<0.000000e+00> : vector<2048x64xf32>
    %dot_general3A_51 = tpu.matmul %mul3A_35, %get3A_49, %dot_general3A_50 {dimension_numbers = #tpu.dot_dimension_numbers<[1], [0], [0], [1], [0, 0, 1, 1], [], []>, transpose_lhs_hint = false} : vector<2048x128xf32>, vector<128x64xf32>, vector<2048x64xf32> -> vector<2048x64xf32>
    %get3A_52 = arith.constant 0 : index
    %get3A_53 = arith.constant 0 : index
    %get3A_54 = vector.load %arg7[%get3A_52, %get3A_53] : memref<1x64xf32, #tpu.memory_space<vmem>>, vector<1x64xf32>
    %add3A_55 = vector.broadcast %get3A_54 : vector<1x64xf32> to vector<2048x64xf32>
    %add3A_56 = arith.addf %dot_general3A_51, %add3A_55 : vector<2048x64xf32>
    %swap3A_57 = arith.constant 0 : index
    %swap3A_58 = arith.constant 0 : index
    %swap3A_59 = vector.load %arg9[%swap3A_57, %swap3A_58] : memref<2048x64xf32, #tpu.memory_space<vmem>>, vector<2048x64xf32>
    tpu.vector_store %arg9[%swap3A_57, %swap3A_58], %add3A_56 {strides = array<i32>} : memref<2048x64xf32, #tpu.memory_space<vmem>>, vector<2048x64xf32>,
    return
  }
  func.func @transform_0(%arg0: i32) -> (i32, i32, i32) {
    %c0_i32 = arith.constant 0 : i32
    %c0_i32_0 = arith.constant 0 : i32
    %c0_i32_1 = arith.constant 0 : i32
    return %c0_i32, %arg0, %c0_i32_0 : i32, i32, i32
  }
  func.func @transform_1(%arg0: i32) -> (i32, i32, i32) {
    %c0_i32 = arith.constant 0 : i32
    %c0_i32_0 = arith.constant 0 : i32
    %c0_i32_1 = arith.constant 0 : i32
    return %c0_i32, %arg0, %c0_i32_0 : i32, i32, i32
  }
  func.func @transform_2(%arg0: i32) -> (i32, i32, i32) {
    %c0_i32 = arith.constant 0 : i32
    %c0_i32_0 = arith.constant 0 : i32
    %c0_i32_1 = arith.constant 0 : i32
    return %c0_i32, %arg0, %c0_i32_0 : i32, i32, i32
  }
  func.func @transform_3(%arg0: i32) -> (i32, i32) {
    %c0_i32 = arith.constant 0 : i32
    %c0_i32_0 = arith.constant 0 : i32
    %c0_i32_1 = arith.constant 0 : i32
    return %c0_i32, %c0_i32_0 : i32, i32
  }
  func.func @transform_4(%arg0: i32) -> (i32, i32) {
    %c0_i32 = arith.constant 0 : i32
    %c0_i32_0 = arith.constant 0 : i32
    %c0_i32_1 = arith.constant 0 : i32
    return %c0_i32, %c0_i32_0 : i32, i32
  }
  func.func @transform_5(%arg0: i32) -> (i32, i32) {
    %c0_i32 = arith.constant 0 : i32
    %c0_i32_0 = arith.constant 0 : i32
    %c0_i32_1 = arith.constant 0 : i32
    return %c0_i32, %c0_i32_0 : i32, i32
  }
  func.func @transform_6(%arg0: i32) -> (i32, i32) {
    %c0_i32 = arith.constant 0 : i32
    %c0_i32_0 = arith.constant 0 : i32
    %c0_i32_1 = arith.constant 0 : i32
    return %c0_i32, %c0_i32_0 : i32, i32
  }
  func.func @transform_7(%arg0: i32) -> (i32, i32) {
    %c0_i32 = arith.constant 0 : i32
    %c0_i32_0 = arith.constant 0 : i32
    return %arg0, %c0_i32 : i32, i32
  }
  func.func @transform_8(%arg0: i32) -> (i32, i32) {
    %c0_i32 = arith.constant 0 : i32
    %c0_i32_0 = arith.constant 0 : i32
    return %arg0, %c0_i32 : i32, i32
  }
}

</mosaic_0001>

<sc_bundles>
// kernel: kernel.11.cloned.1.call-start
scs
__scs_entry_jumppad:
0x0: {  	(pc) =	sbr.rel $0x88, $3  }
0x1: {  	(tag) =	ssettag $0x0;
	lr =	simm.s32 $0x1  }
0x2: {  	[smem:$0x3F99] =	sst lr;
	_ =	strace $0xD0000000  }
0x3: {  	_ = 	snop  }
0x4: {  	_ = 	snop  }
0x5: {  	_ = 	snop  }
0x6: {  	_ = 	snop  }
0x7: {  	_ = 	snop  }
__scs_overlays_trampoline_lowered:
0x8: {  	[smem:$0x3FA8] =	sst s0  }
0x9: {  	[smem:$0x3FA9] =	sst s1  }
0xa: {  	[smem:$0x3FAA] =	sst s2  }
0xb: {  	[smem:$0x3FAB] =	sst s3  }
0xc: {  	[smem:$0x3FAC] =	sst s4  }
0xd: {  	[smem:$0x3FAD] =	sst s5  }
0xe: {  	[smem:$0x3FAE] =	sst s6  }
0xf: {  	[smem:$0x3FAF] =	sst s7  }
0x10: {  	[smem:$0x3FB0] =	sst s8  }
0x11: {  	[smem:$0x3FB1] =	sst s9;
	s0 =	simm.s32 @!p0 $0x0  }
0x12: {  	s1 =	sld [smem:$0x3F97];
	s0 =	simm.s32 @p0 $0x1  }
0x13: {  	[smem:$0x3FB2] =	sst s0;
	s0 =	simm.s32 @!p1 $0x0  }
0x14: {  	s2 =	sld [smem:$0x3F96];
	s0 =	simm.s32 @p1 $0x1  }
0x15: {  	[smem:$0x3FB3] =	sst s0;
	s0 =	simm.s32 @!p2 $0x0  }
0x16: {  	s3 =	sld [smem:$0x3FDB];
	s0 =	simm.s32 @p2 $0x1  }
0x17: {  	s4 =	simm.s32 $0x1BF5;
	[smem:$0x3FB5] =	sst s0  }
0x18: {  	s0 =	sld [smem:$0x3F98];
	_ =	swait.ge [sflag:s4], $0x0  }
0x19: {  	s7 =	sld [smem:$0x3F99]  }
0x1a: {  	s8 =	sadd.s32 $0xFFFFE003, lr  }
0x1b: {  	s9 =	sadd.s32 $0xFFFFFEF7, lr;
	s5 =	simm.s32 $0xFFFFFFFF;
	p2 =	slt.u32 s8, $0xFFFFF086  }
0x1c: {  	p1 =	slt.u32 s9, $0xF7A;
	s5 =	simm.s32 @!p2 $0x0  }
0x1d: {  	s5 =	simm.s32 @p1 $0x1;
	p0 =	seq.s32 s7, s2  }
0x1e: {  	s7 =	smul.u32 @!p0 $0xF7A, s2;
	p2 =	seq.s32 @!p0 s5, $0x0  }
0x1f: {  	s9 =	smul.u32 $0xF7A, s1;
	s8 =	simm.s32 @!p0 $0x1BF5;
	p2 =	por !p2, p0  }
0x20: {  	[sflag:s8] =	ssyncset.s32 @!p0 $0xFFFFF086;
	s6 =	sadd.s32 @!p0 s3, s7;
	s7 =	simm.s32 @!p0 $0x108  }
0x21: {  	s3 =	sadd.s32 s3, s9;
	s6 =	sadd.s32 @!p0 $0x88, s6;
	s7 =	simm.s32 @p2 $0x1082  }
0x22: {  	[simem:s7], [sflag:s8] =	dma.local @!p0 [hbm:s6], $0xF7A  }
0x23: {  	s9 =	sor.u32 $0xD0000000, s2;
	s6 =	simm.s32 $0x108;
	_ =	swait.ge @!p0 [sflag:s8], $0x0  }
0x24: {  	s3 =	sadd.s32 $0x88, s3;
	s6 =	simm.s32 @!p1 $0x1082;
	[sflag:s4] =	ssyncset.s32 $0xFFFFF086  }
0x25: {  	[simem:s6], [sflag:s4] =	dma.local [hbm:s3], $0xF7A  }
0x26: {  	[smem:$0x3F99] =	sst s1;
	(tag) =	ssettag s2;
	_ =	strace s9  }
0x27: {  	s1 =	sld [smem:$0x3FA9]  }
0x28: {  	s2 =	sld [smem:$0x3FAA]  }
0x29: {  	s4 =	sld [smem:$0x3FAC]  }
0x2a: {  	p0 =	seq.s32 s5, $0x0;
	s5 =	sld [smem:$0x3FAD]  }
0x2b: {  	s6 =	sld [smem:$0x3FAE]  }
0x2c: {  	s7 =	sld [smem:$0x3FAF]  }
0x2d: {  	s3 =	simm.s32 $0x108;
	s8 =	sld [smem:$0x3FB0]  }
0x2e: {  	s3 =	simm.s32 @!p0 $0x1082;
	s9 =	sld [smem:$0x3FB1]  }
0x2f: {  	lr =	sadd.s32 s0, s3;
	s0 =	sld [smem:$0x3FA8]  }
0x30: {  	s3 =	sld [smem:$0x3FAB]  }
0x31: {  	[smem:$0x3FB4] =	sst s10  }
0x32: {  	s10 =	sld [smem:$0x3FB2];
	_ =	sdelay $0x3  }
0x33: {  	p0 =	seq.s32 s10, $0x1;
	s10 =	sld [smem:$0x3FB4];
	_ =	sdelay $0x3  }
0x34: {  	[smem:$0x3FB4] =	sst s10  }
0x35: {  	s10 =	sld [smem:$0x3FB3];
	_ =	sdelay $0x3  }
0x36: {  	p1 =	seq.s32 s10, $0x1;
	s10 =	sld [smem:$0x3FB4];
	_ =	sdelay $0x3  }
0x37: {  	[smem:$0x3FB4] =	sst s10  }
0x38: {  	s10 =	sld [smem:$0x3FB5]  }
0x39: {  	_ = 	snop;
	(pc) =	sbr.ind lr, $3  }
0x3a: {  	_ = 	snop  }
0x3b: {  	_ = 	snop  }
0x3c: {  	p2 =	seq.s32 s10, $0x1;
	s10 =	sld [smem:$0x3FB4]  }
0x3d: {  	_ =	shalt  }
0x3e: {  	_ =	shalt  }
0x3f: {  	_ =	shalt  }
0x40: {  	_ =	shalt  }
0x41: {  	_ =	shalt  }
0x42: {  	_ =	shalt  }
0x43: {  	_ =	shalt  }
0x44: {  	_ =	shalt  }
0x45: {  	_ =	shalt  }
0x46: {  	_ =	shalt  }
0x47: {  	_ =	shalt  }
0x48: {  	_ =	shalt  }
0x49: {  	_ =	shalt  }
0x4a: {  	_ =	shalt  }
0x4b: {  	_ =	shalt  }
0x4c: {  	_ =	shalt  }
0x4d: {  	_ =	shalt  }
0x4e: {  	_ =	shalt  }
0x4f: {  	_ =	shalt  }
0x50: {  	_ =	shalt  }
0x51: {  	_ =	shalt  }
0x52: {  	_ =	shalt  }
0x53: {  	_ =	shalt  }
0x54: {  	_ =	shalt  }
0x55: {  	_ =	shalt  }
0x56: {  	_ =	shalt  }
0x57: {  	_ =	shalt  }
0x58: {  	_ =	shalt  }
0x59: {  	_ =	shalt  }
0x5a: {  	_ =	shalt  }
0x5b: {  	_ =	shalt  }
0x5c: {  	_ =	shalt  }
0x5d: {  	_ =	shalt  }
0x5e: {  	_ =	shalt  }
0x5f: {  	_ =	shalt  }
0x60: {  	_ =	shalt  }
0x61: {  	_ =	shalt  }
0x62: {  	_ =	shalt  }
0x63: {  	_ =	shalt  }
0x64: {  	_ =	shalt  }
0x65: {  	_ =	shalt  }
0x66: {  	_ =	shalt  }
0x67: {  	_ =	shalt  }
0x68: {  	_ =	shalt  }
0x69: {  	_ =	shalt  }
0x6a: {  	_ =	shalt  }
0x6b: {  	_ =	shalt  }
0x6c: {  	_ =	shalt  }
0x6d: {  	_ =	shalt  }
0x6e: {  	_ =	shalt  }
0x6f: {  	_ =	shalt  }
0x70: {  	_ =	shalt  }
0x71: {  	_ =	shalt  }
0x72: {  	_ =	shalt  }
0x73: {  	_ =	shalt  }
0x74: {  	_ =	shalt  }
0x75: {  	_ =	shalt  }
0x76: {  	_ =	shalt  }
0x77: {  	_ =	shalt  }
0x78: {  	_ =	shalt  }
0x79: {  	_ =	shalt  }
0x7a: {  	_ =	shalt  }
0x7b: {  	_ =	shalt  }
0x7c: {  	_ =	shalt  }
0x7d: {  	_ =	shalt  }
0x7e: {  	_ =	shalt  }
0x7f: {  	_ =	shalt  }
0x80: {  	_ =	shalt  }
0x81: {  	_ =	shalt  }
0x82: {  	_ =	shalt  }
0x83: {  	_ =	shalt  }
0x84: {  	_ =	shalt  }
0x85: {  	_ =	shalt  }
0x86: {  	_ =	shalt  }
0x87: {  	_ =	shalt  }
.Lfunc_end0:
.L_simem_size_0:
called_computation.1_lowered:
.L_overlay_start_0:
0x88: {  	s2 =	sld [smem:$0x3FD9]  }
0x89: {  	s3 =	sld [smem:$0x3FFE];
	_ =	sdelay $0x1  }
0x8a: {  	s1 =	srdreg.scid  }
0x8b: {  	s0 =	sand.u32 $0x1, s1  }
0x8c: {  	s14 =	sshll.u32 s0, $0xA;
	s2 =	sadd.s32 s3, s2  }
0x8d: {  	s2 =	sadd.s32 s2, s14  }
0x8e: {  	[smem:$0x3FC0] =	sst s2  }
0x8f: {  	_ = 	snop  }
0x90: {  	s2 =	sld [smem:$0x3FD0];
	_ =	sdelay $0x2  }
0x91: {  	s15 =	simm.s32 $0xA;
	s4 =	simm.s32 $0x10  }
0x92: {  	[smem:s4], [sflag:s15] =	dma.local [hbm:s2], $0x1  }
0x93: {  	_ =	swait.eq [sflag:s15], $0x1  }
0x94: {  	[sflag:s15] =	ssyncset.done $0x0  }
0x95: {  	s16 =	sld [smem:$0x11];
	[sflag:s15] =	ssyncadd.s32 $0xFFFFFFFF  }
0x96: {  	s17 =	sld [smem:$0x12];
	(tm) =	ssettm $0x1  }
0x97: {  	s18 =	sld [smem:$0x3FFB];
	_ =	sdelay $0x3  }
0x98: {  	_ =	strace s18  }
0x99: {  	s4 =	sld [smem:$0x3FFC];
	_ =	sdelay $0x3  }
0x9a: {  	_ =	strace s4  }
0x9b: {  	s4 =	sld [smem:$0x3FFD];
	_ =	sdelay $0x3  }
0x9c: {  	_ =	strace s4  }
0x9d: {  	_ =	strace $0x8FFFFFFF  }
0x9e: {  	s19 =	sld [smem:$0x3FDB];
	_ =	sdelay $0x1  }
0x9f: {  	s5 =	simm.s32 $_scs_section_size  }
0xa0: {  	s6 =	simm.s32 $_size__tile_overlayer_lowered;
	s7 =	simm.s32 $_tile_overlayer_lowered  }
0xa1: {  	s22 =	simm.s32 $0x1BFF;
	s21 =	sshll.u32 s7, $0x1;
	s4 =	sadd.s32 s5, s19  }
0xa2: {  	s8 =	simm.s32 $0x0;
	s20 =	sshll.u32 s6, $0x1;
	s6 =	sadd.s32 s21, s4  }
0xa3: {  	[timem:s8], [sflag:s22] =	dma.local [hbm:s6], s20  }
0xa4: {  	_ =	swait.ge [sflag:s22], s20  }
0xa5: {  	s5 =	ssub.s32 $0x0, s20;
	[sflag:s22] =	ssyncset.done $0x0  }
0xa6: {  	[sflag:s22] =	ssyncadd.s32 s5;
	_ =	sdelay $0x1  }
0xa7: {  	s23 =	simm.s32 $0x1B8B  }
0xa8: {  	_ =	swait.ge [sflag:s23], $0x1  }
0xa9: {  	[sflag:s23] =	ssyncset.done $0x0  }
0xaa: {  	s25 =	simm.s32 $0x1B8E;
	s24 =	sld [smem:$0x3FFE];
	[sflag:s23] =	ssyncadd.s32 $0xFFFFFFFF  }
0xab: {  	s26 =	simm.s32 $execute0_lowered;
	[smem:$0x3FD2] =	sst s25  }
0xac: {  	s6 =	sshll.u32 s26, $0x1;
	_ =	strace $0x80000049;
	[dreg:$0x1] =	wrdreg $0xFFFFFFFF  }
0xad: {  	s28 =	simm.s32 $_size_execute0_lowered;
	s4 =	sadd.s32 s4, s6;
	[dreg:$0x0] =	wrdreg $0x0  }
0xae: {  	s6 =	sshll.u32 s28, $0x1;
	[dreg:$0x2] =	wrdreg s4  }
0xaf: {  	[dreg:$0x3] =	wrdreg s6  }
0xb0: {  	[dreg:$0x4] =	wrdreg $0xC0  }
0xb1: {  	_ =	task [dreg:s8], $0x5FFFF  }
0xb2: {  	[dreg:$0x1] =	wrdreg $0xFFFFFFFF  }
0xb3: {  	[dreg:$0x0] =	wrdreg $0x60  }
0xb4: {  	[dreg:$0x2] =	wrdreg s24  }
0xb5: {  	[dreg:$0x3] =	wrdreg s16  }
0xb6: {  	[dreg:$0x4] =	wrdreg s17  }
0xb7: {  	[dreg:$0x5] =	wrdreg $0x140000  }
0xb8: {  	[dreg:$0x6] =	wrdreg $0x9  }
0xb9: {  	_ =	task.clear_ibuf [dreg:s8], $0x7FFFF;
	_ =	strace $0x90000049  }
0xba: {  	s29 =	simm.s32 $0x9;
	_ =	strace $0x8000004B  }
0xbb: {  	_ =	swait.ge [sflag:s29], $0x1  }
0xbc: {  	[sflag:s29] =	ssyncadd.s32 $0xFFFFFFFF  }
0xbd: {  	_ =	strace $0x9000004B  }
0xbe: {  	_ =	sfence  }
0xbf: {  	s30 =	sld [smem:$0x0];
	_ =	sdelay $0x2  }
0xc0: {  	s31 =	sshll.u32 s1, $0xD;
	s1 =	sshrl.u32 s1, $0x2  }
0xc1: {  	s3 =	sand.u32 $0x4000, s31;
	s1 =	sadd.s32 s1, s30  }
0xc2: {  	s0 =	sor.u32 s3, s0;
	s1 =	sshll.u32 s1, $0x11  }
0xc3: {  	s0 =	sor.u32 s1, s0  }
0xc4: {  	s0 =	sadd.s32 $0x8F2B, s0  }
0xc5: {  	[sflag:s0] =	ssyncadd.remote.s32 $0x1  }
0xc6: {  	_ =	sfence.sel $0xFFFF  }
0xc7: {  	[dreg:$0x0] =	wrdreg $0xFFFFFFFF;
	(pc) =	sbr.abs _section_cstart, $3  }
0xc8: {  	[dreg:$0x1] =	wrdreg $0xFFFFFFFF  }
0xc9: {  	_ =	task.clear_ibuf [dreg:s8], $0x2FFFF;
	_ =	strace $0x9FFFFFFF  }
0xca: {  	(tm) =	ssettm $0x7FFFFFFF  }
0xcb: {  	_ =	shalt  }
tec
execute0_lowered:
.L_overlay_start_1:
0x0: {  	(tag) =	ssettag $0x1  }
0x1: {  	s6 =	rddreg [dreg:$0x0]  }
0x2: {  	s7 =	rddreg [dreg:$0x1]  }
0x3: {  	s2 =	rddreg [dreg:$0x2];
	s0 =	srdreg.scid  }
0x4: {  	s3 =	rddreg [dreg:$0x3];
	s1 =	stileid.u32;
	s4 =	simm.s32 $0x0  }
0x5: {  	s15 =	simm.s32 $0x180;
	s16 =	simm.s32 $0xE000;
	s17 =	simm.s32 $0x100  }
0x6: {  	s18 =	simm.s32 $0xA000;
	s19 =	simm.s32 $0x1;
	s9 =	smul.u32 $0x5000, s1  }
0x7: {  	s20 =	simm.s32 $0x2;
	s21 =	simm.s32 $0x0;
	s10 =	smul.u32 $0xA000, s1  }
0x8: {  	s8 =	sand.u32 $0x1, s0;
	s0 =	rddreg [dreg:$0x4];
	s12 =	smul.u32 $0x600, s1  }
0x9: {  	[smem:$0x7FF] =	sst s4;
	s30 =	sshll.u32 s1, $0xA;
	s5 =	smul.u32 $0x50000, s8  }
0xa: {  	s31 =	sshll.u32 s1, $0x6;
	_ =	strace $0x8000004A;
	s11 =	smul.u32 $0xA0000, s8  }
0xb: {  	s8 =	ssub.s32 $0x2, s8;
	s7 =	sadd.s32 s7, s30;
	s12 =	sadd.s32 s12, s6  }
0xc: {  	s13 =	sshrl.u32 s8, $0x1;
	s14 =	sadd.s32 s10, s3;
	s9 =	sadd.s32 s9, s5  }
0xd: {  	s5 =	sadd.s32 $0xBD400, s6;
	s11 =	sadd.s32 s10, s11;
	s13 =	ssub.s32 s8, s13  }
0xe: {  	s8 =	sadd.s32 $0x17400, s12;
	s12 =	simm.s32 $0x5000;
	s14 =	sshrl.u32 s14, $0x3  }
0xf: {  	s9 =	sshrl.u32 s9, $0x3;
	s11 =	sshrl.u32 s11, $0x3;
	s10 =	smax.u32 s13, $0x1  }
0x10: {  	s13 =	sor.u32 $0x1C03, s31;
	s9 =	sadd.s32 s9, s6;
	s11 =	sadd.s32 s11, s6  }
0x11: {  	s6 =	sadd.s32 $0x3400, s9;
	s9 =	sadd.s32 $0xE5400, s11;
	s11 =	simm.s32 $0x3  }
.LBB2_1:
0x12: {  	[tilespmem:s4], [sflag:$0x3] =	stream.linear.gather [hbm4b:s6+s4], $0x5000, $0x38;
	[tilespmem:$0x1E000] =	vst v63  }
0x13: {  	_ =	swait.ge [sflag:s11], $0x5000  }
0x14: {  	[sflag:s11] =	ssyncset.done $0x0  }
0x15: {  	[sflag:s11] =	ssyncadd.s32 $0xFFFFB000  }
0x16: {  	[tilespmem:s12], [sflag:$0x3] =	stream.linear.gather [hbm4b:s7+s4], $0x2000, $0x38;
	[tilespmem:$0x1E000] =	vst v63  }
0x17: {  	_ =	swait.ge [sflag:s11], $0x2000  }
0x18: {  	[sflag:s11] =	ssyncset.done $0x0  }
0x19: {  	s22 =	simm.s32 $0x7000;
	[sflag:s11] =	ssyncadd.s32 $0xFFFFE000  }
0x1a: {  	[tilespmem:s22], [sflag:$0x3] =	stream.linear.gather [hbm4b:s8+s4], $0x3000, $0x38;
	[tilespmem:$0x1E000] =	vst v63  }
0x1b: {  	_ =	swait.ge [sflag:s11], $0x3000  }
0x1c: {  	[sflag:s11] =	ssyncset.done $0x0  }
0x1d: {  	[sflag:s11] =	ssyncadd.s32 $0xFFFFD000  }
0x1e: {  	[spmem:s14], [sflag:s13] =	dma.local [hbm:s2], $0x1400  }
0x1f: {  	_ =	swait.ge [sflag:s11], $0x1400  }
0x20: {  	[sflag:s11] =	ssyncset.done $0x0  }
0x21: {  	[sflag:s11] =	ssyncadd.s32 $0xFFFFEC00  }
0x22: {  	[bflag:$0x0] =	sbarrier.arrive $0xFFFF  }
0x23: {  	[tilespmem:s16], [sflag:$0x1] =	stream.indirect.gather [hbm4b:s5+s15], $0x40, s17, s15, $0xb8;
	[tilespmem:$0x1E000] =	vst v63  }
0x24: {  	s23 =	simm.s32 $0x0  }
0x25: {  	[tilespmem:s18], [sflag:$0x3] =	stream.indirect.gather [hbm4b:s5+s17], $0x40, s23, s17, $0xb8;
	[tilespmem:$0x1E000] =	vst v63  }
0x26: {  	_ =	swait.ge [sflag:s11], $0x4000  }
0x27: {  	[sflag:s11] =	ssyncset.done $0x0  }
0x28: {  	s31 =	simm.s32 $0x5000;
	[sflag:s11] =	ssyncadd.s32 $0xFFFFC000  }
0x29: {  	[spmem:s3] =	stream.indirect.scatter.add.f32 [tilespmem:s18], [sflag:$0x2], $0x40, s31, s17, $0xb8;
	[tilespmem:$0x1E000] =	vst v63  }
0x2a: {  	_ =	swait.ge [sflag:s19], $0x6000  }
0x2b: {  	[sflag:s19] =	ssyncset.done $0x0  }
0x2c: {  	[sflag:s19] =	ssyncadd.s32 $0xFFFFA000  }
0x2d: {  	[spmem:s3] =	stream.indirect.scatter.add.f32 [tilespmem:s16], [sflag:$0x3], $0x40, s22, s15, $0xb8;
	[tilespmem:$0x1E000] =	vst v63  }
0x2e: {  	_ =	swait.ge [sflag:s11], $0x6000  }
0x2f: {  	[sflag:s11] =	ssyncset.done $0x0  }
0x30: {  	[sflag:s11] =	ssyncadd.s32 $0xFFFFA000  }
0x31: {  	_ =	swait.ge [sflag:s20], $0x4000  }
0x32: {  	s24 =	simm.s32 $0x100;
	s23 =	simm.s32 $0x400;
	[sflag:s20] =	ssyncset.done $0x0  }
.LBB2_2:
0x33: {  	[sflag:s20] =	ssyncadd.s32 $0xFFFFC000  }
0x34: {  	s22 =	sadd.s32 $0x180, s22;
	s24 =	sadd.s32 $0x280, s24;
	s25 =	smov.u32 s23  }
0x35: {  	[tilespmem:s16], [sflag:$0x1] =	stream.indirect.gather [hbm4b:s5+s15], $0x40, s24, s15, $0xb8;
	[tilespmem:$0x1E000] =	vst v63  }
0x36: {  	p0 =	sne.s32 s23, $0x7C00;
	s23 =	sadd.s32 $0x400, s23;
	s26 =	sadd.s32 $0xFFFFFF00, s24  }
0x37: {  	[tilespmem:s18], [sflag:$0x3] =	stream.indirect.gather [hbm4b:s5+s17], $0x40, s26, s17, $0xb8;
	[tilespmem:$0x1E000] =	vst v63  }
0x38: {  	_ =	swait.ge [sflag:s11], $0x4000  }
0x39: {  	s25 =	sshra.s32 s25, $0x2;
	[sflag:s11] =	ssyncset.done $0x0  }
0x3a: {  	s25 =	sadd.s32 $0x5000, s25;
	[sflag:s11] =	ssyncadd.s32 $0xFFFFC000  }
0x3b: {  	[spmem:s3] =	stream.indirect.scatter.add.f32 [tilespmem:s18], [sflag:$0x2], $0x40, s25, s17, $0xb8;
	[tilespmem:$0x1E000] =	vst v63  }
0x3c: {  	_ =	swait.ge [sflag:s19], $0x6000  }
0x3d: {  	[sflag:s19] =	ssyncset.done $0x0  }
0x3e: {  	[sflag:s19] =	ssyncadd.s32 $0xFFFFA000  }
0x3f: {  	[spmem:s3] =	stream.indirect.scatter.add.f32 [tilespmem:s16], [sflag:$0x3], $0x40, s22, s15, $0xb8;
	[tilespmem:$0x1E000] =	vst v63  }
.Ltmp0:
0x40: {  	_ =	swait.ge [sflag:s11], $0x6000;
	(pc) =	sbr.rel @p0 .LBB2_2-.Ltmp0, $4  }
0x41: {  	[sflag:s11] =	ssyncset.done $0x0  }
0x42: {  	[sflag:s11] =	ssyncadd.s32 $0xFFFFA000  }
0x43: {  	_ =	swait.ge [sflag:s20], $0x4000  }
0x44: {  	[sflag:s20] =	ssyncset.done $0x0  }
0x45: {  	s21 =	sadd.s32 $0x1, s21  }
0x46: {  	[sflag:s20] =	ssyncadd.s32 $0xFFFFC000;
	p0 =	sne.s32 s21, s10  }
.Ltmp1:
0x47: {  	[bflag:$0x0] =	sbarrier.arrive $0xFFFF;
	(pc) =	sbr.rel @p0 .LBB2_1-.Ltmp1, $4  }
0x48: {  	[hbm:s9], [sflag:s13] =	dma.local [spmem:s14], $0x1400  }
0x49: {  	_ =	swait.ge [sflag:s11], $0x1400  }
0x4a: {  	[sflag:s11] =	ssyncset.done $0x0  }
0x4b: {  	[sflag:s11] =	ssyncadd.s32 $0xFFFFEC00  }
0x4c: {  	_ =	sfence.sel $0x180000  }
0x4d: {  	[bflag:$0x0] =	sbarrier.arrive $0xFFFF  }
0x4e: {  	p0 =	sne.s32 s1, $0x0;
	_ =	strace $0x9000004A  }
0x4f: {  	s0 =	sadd.s32 @!p0 $0x100000, s0;
	[bflag:$0x2] =	sbarrier.arrive $0xFFFF  }
0x50: {  	[sflag:s0] =	ssyncadd.tile.s32 @!p0 $0x1;
	_ =	shalt  }
.Lfunc_end2:
_tile_overlayer_lowered:
.L_overlay_start_2:
0x51: {  	(tag) =	ssettag $0x2  }
0x52: {  	s0 =	rddreg [dreg:$0x0];
	s2 =	stileid.u32  }
0x53: {  	s1 =	rddreg [dreg:$0x1];
	p0 =	sne.s32 s2, $0x0  }
0x54: {  	s3 =	rddreg [dreg:$0x2];
	[bflag:$0x3] =	sbarrier.arrive $0xFFFF;
	s2 =	simm.s32 @!p0 $0x1C03  }
0x55: {  	[timem:s3], [sflag:s2] =	dma.local @!p0 [hbm:s0], s1  }
0x56: {  	s0 =	simm.s32 @!p0 $0x3  }
0x57: {  	_ =	swait.ge @!p0 [sflag:s0], s1  }
0x58: {  	s1 =	ssub.s32 @!p0 $0x0, s1;
	[sflag:s0] =	ssyncset.done @!p0 $0x0  }
0x59: {  	[sflag:s0] =	ssyncadd.s32 @!p0 s1  }
0x5a: {  	[bflag:$0x3] =	sbarrier.arrive $0xFFFF  }
0x5b: {  	_ =	shalt  }

// kernel: kernel.14.cloned.1.call-start
scs
__scs_entry_jumppad:
0x0: {  	(pc) =	sbr.rel $0x88, $3  }
0x1: {  	(tag) =	ssettag $0x0;
	lr =	simm.s32 $0x1  }
0x2: {  	[smem:$0x3F99] =	sst lr;
	_ =	strace $0xD0000000  }
0x3: {  	_ = 	snop  }
0x4: {  	_ = 	snop  }
0x5: {  	_ = 	snop  }
0x6: {  	_ = 	snop  }
0x7: {  	_ = 	snop  }
__scs_overlays_trampoline_lowered:
0x8: {  	[smem:$0x3FA8] =	sst s0  }
0x9: {  	[smem:$0x3FA9] =	sst s1  }
0xa: {  	[smem:$0x3FAA] =	sst s2  }
0xb: {  	[smem:$0x3FAB] =	sst s3  }
0xc: {  	[smem:$0x3FAC] =	sst s4  }
0xd: {  	[smem:$0x3FAD] =	sst s5  }
0xe: {  	[smem:$0x3FAE] =	sst s6  }
0xf: {  	[smem:$0x3FAF] =	sst s7  }
0x10: {  	[smem:$0x3FB0] =	sst s8  }
0x11: {  	[smem:$0x3FB1] =	sst s9;
	s0 =	simm.s32 @!p0 $0x0  }
0x12: {  	s1 =	sld [smem:$0x3F97];
	s0 =	simm.s32 @p0 $0x1  }
0x13: {  	[smem:$0x3FB2] =	sst s0;
	s0 =	simm.s32 @!p1 $0x0  }
0x14: {  	s2 =	sld [smem:$0x3F96];
	s0 =	simm.s32 @p1 $0x1  }
0x15: {  	[smem:$0x3FB3] =	sst s0;
	s0 =	simm.s32 @!p2 $0x0  }
0x16: {  	s3 =	sld [smem:$0x3FDB];
	s0 =	simm.s32 @p2 $0x1  }
0x17: {  	s4 =	simm.s32 $0x1BF5;
	[smem:$0x3FB5] =	sst s0  }
0x18: {  	s0 =	sld [smem:$0x3F98];
	_ =	swait.ge [sflag:s4], $0x0  }
0x19: {  	s7 =	sld [smem:$0x3F99]  }
0x1a: {  	s8 =	sadd.s32 $0xFFFFE003, lr  }
0x1b: {  	s9 =	sadd.s32 $0xFFFFFEF7, lr;
	s5 =	simm.s32 $0xFFFFFFFF;
	p2 =	slt.u32 s8, $0xFFFFF086  }
0x1c: {  	p1 =	slt.u32 s9, $0xF7A;
	s5 =	simm.s32 @!p2 $0x0  }
0x1d: {  	s5 =	simm.s32 @p1 $0x1;
	p0 =	seq.s32 s7, s2  }
0x1e: {  	s7 =	smul.u32 @!p0 $0xF7A, s2;
	p2 =	seq.s32 @!p0 s5, $0x0  }
0x1f: {  	s9 =	smul.u32 $0xF7A, s1;
	s8 =	simm.s32 @!p0 $0x1BF5;
	p2 =	por !p2, p0  }
0x20: {  	[sflag:s8] =	ssyncset.s32 @!p0 $0xFFFFF086;
	s6 =	sadd.s32 @!p0 s3, s7;
	s7 =	simm.s32 @!p0 $0x108  }
0x21: {  	s3 =	sadd.s32 s3, s9;
	s6 =	sadd.s32 @!p0 $0x88, s6;
	s7 =	simm.s32 @p2 $0x1082  }
0x22: {  	[simem:s7], [sflag:s8] =	dma.local @!p0 [hbm:s6], $0xF7A  }
0x23: {  	s9 =	sor.u32 $0xD0000000, s2;
	s6 =	simm.s32 $0x108;
	_ =	swait.ge @!p0 [sflag:s8], $0x0  }
0x24: {  	s3 =	sadd.s32 $0x88, s3;
	s6 =	simm.s32 @!p1 $0x1082;
	[sflag:s4] =	ssyncset.s32 $0xFFFFF086  }
0x25: {  	[simem:s6], [sflag:s4] =	dma.local [hbm:s3], $0xF7A  }
0x26: {  	[smem:$0x3F99] =	sst s1;
	(tag) =	ssettag s2;
	_ =	strace s9  }
0x27: {  	s1 =	sld [smem:$0x3FA9]  }
0x28: {  	s2 =	sld [smem:$0x3FAA]  }
0x29: {  	s4 =	sld [smem:$0x3FAC]  }
0x2a: {  	p0 =	seq.s32 s5, $0x0;
	s5 =	sld [smem:$0x3FAD]  }
0x2b: {  	s6 =	sld [smem:$0x3FAE]  }
0x2c: {  	s7 =	sld [smem:$0x3FAF]  }
0x2d: {  	s3 =	simm.s32 $0x108;
	s8 =	sld [smem:$0x3FB0]  }
0x2e: {  	s3 =	simm.s32 @!p0 $0x1082;
	s9 =	sld [smem:$0x3FB1]  }
0x2f: {  	lr =	sadd.s32 s0, s3;
	s0 =	sld [smem:$0x3FA8]  }
0x30: {  	s3 =	sld [smem:$0x3FAB]  }
0x31: {  	[smem:$0x3FB4] =	sst s10  }
0x32: {  	s10 =	sld [smem:$0x3FB2];
	_ =	sdelay $0x3  }
0x33: {  	p0 =	seq.s32 s10, $0x1;
	s10 =	sld [smem:$0x3FB4];
	_ =	sdelay $0x3  }
0x34: {  	[smem:$0x3FB4] =	sst s10  }
0x35: {  	s10 =	sld [smem:$0x3FB3];
	_ =	sdelay $0x3  }
0x36: {  	p1 =	seq.s32 s10, $0x1;
	s10 =	sld [smem:$0x3FB4];
	_ =	sdelay $0x3  }
0x37: {  	[smem:$0x3FB4] =	sst s10  }
0x38: {  	s10 =	sld [smem:$0x3FB5]  }
0x39: {  	_ = 	snop;
	(pc) =	sbr.ind lr, $3  }
0x3a: {  	_ = 	snop  }
0x3b: {  	_ = 	snop  }
0x3c: {  	p2 =	seq.s32 s10, $0x1;
	s10 =	sld [smem:$0x3FB4]  }
0x3d: {  	_ =	shalt  }
0x3e: {  	_ =	shalt  }
0x3f: {  	_ =	shalt  }
0x40: {  	_ =	shalt  }
0x41: {  	_ =	shalt  }
0x42: {  	_ =	shalt  }
0x43: {  	_ =	shalt  }
0x44: {  	_ =	shalt  }
0x45: {  	_ =	shalt  }
0x46: {  	_ =	shalt  }
0x47: {  	_ =	shalt  }
0x48: {  	_ =	shalt  }
0x49: {  	_ =	shalt  }
0x4a: {  	_ =	shalt  }
0x4b: {  	_ =	shalt  }
0x4c: {  	_ =	shalt  }
0x4d: {  	_ =	shalt  }
0x4e: {  	_ =	shalt  }
0x4f: {  	_ =	shalt  }
0x50: {  	_ =	shalt  }
0x51: {  	_ =	shalt  }
0x52: {  	_ =	shalt  }
0x53: {  	_ =	shalt  }
0x54: {  	_ =	shalt  }
0x55: {  	_ =	shalt  }
0x56: {  	_ =	shalt  }
0x57: {  	_ =	shalt  }
0x58: {  	_ =	shalt  }
0x59: {  	_ =	shalt  }
0x5a: {  	_ =	shalt  }
0x5b: {  	_ =	shalt  }
0x5c: {  	_ =	shalt  }
0x5d: {  	_ =	shalt  }
0x5e: {  	_ =	shalt  }
0x5f: {  	_ =	shalt  }
0x60: {  	_ =	shalt  }
0x61: {  	_ =	shalt  }
0x62: {  	_ =	shalt  }
0x63: {  	_ =	shalt  }
0x64: {  	_ =	shalt  }
0x65: {  	_ =	shalt  }
0x66: {  	_ =	shalt  }
0x67: {  	_ =	shalt  }
0x68: {  	_ =	shalt  }
0x69: {  	_ =	shalt  }
0x6a: {  	_ =	shalt  }
0x6b: {  	_ =	shalt  }
0x6c: {  	_ =	shalt  }
0x6d: {  	_ =	shalt  }
0x6e: {  	_ =	shalt  }
0x6f: {  	_ =	shalt  }
0x70: {  	_ =	shalt  }
0x71: {  	_ =	shalt  }
0x72: {  	_ =	shalt  }
0x73: {  	_ =	shalt  }
0x74: {  	_ =	shalt  }
0x75: {  	_ =	shalt  }
0x76: {  	_ =	shalt  }
0x77: {  	_ =	shalt  }
0x78: {  	_ =	shalt  }
0x79: {  	_ =	shalt  }
0x7a: {  	_ =	shalt  }
0x7b: {  	_ =	shalt  }
0x7c: {  	_ =	shalt  }
0x7d: {  	_ =	shalt  }
0x7e: {  	_ =	shalt  }
0x7f: {  	_ =	shalt  }
0x80: {  	_ =	shalt  }
0x81: {  	_ =	shalt  }
0x82: {  	_ =	shalt  }
0x83: {  	_ =	shalt  }
0x84: {  	_ =	shalt  }
0x85: {  	_ =	shalt  }
0x86: {  	_ =	shalt  }
0x87: {  	_ =	shalt  }
.Lfunc_end0:
.L_simem_size_0:
called_computation.2_lowered:
.L_overlay_start_0:
0x88: {  	s2 =	sld [smem:$0x3FD9]  }
0x89: {  	s3 =	sld [smem:$0x3FFE];
	_ =	sdelay $0x1  }
0x8a: {  	s1 =	srdreg.scid  }
0x8b: {  	s0 =	sand.u32 $0x1, s1  }
0x8c: {  	s14 =	sshll.u32 s0, $0xA;
	s2 =	sadd.s32 s3, s2  }
0x8d: {  	s2 =	sadd.s32 s2, s14  }
0x8e: {  	[smem:$0x3FC0] =	sst s2  }
0x8f: {  	_ = 	snop  }
0x90: {  	s2 =	sld [smem:$0x3FD0];
	_ =	sdelay $0x2  }
0x91: {  	s15 =	simm.s32 $0xA;
	s4 =	simm.s32 $0x10  }
0x92: {  	[smem:s4], [sflag:s15] =	dma.local [hbm:s2], $0x1  }
0x93: {  	_ =	swait.eq [sflag:s15], $0x1  }
0x94: {  	[sflag:s15] =	ssyncset.done $0x0  }
0x95: {  	s16 =	sld [smem:$0x11];
	[sflag:s15] =	ssyncadd.s32 $0xFFFFFFFF  }
0x96: {  	s17 =	sld [smem:$0x12];
	(tm) =	ssettm $0x1  }
0x97: {  	s18 =	sld [smem:$0x3FFB];
	_ =	sdelay $0x3  }
0x98: {  	_ =	strace s18  }
0x99: {  	s4 =	sld [smem:$0x3FFC];
	_ =	sdelay $0x3  }
0x9a: {  	_ =	strace s4  }
0x9b: {  	s4 =	sld [smem:$0x3FFD];
	_ =	sdelay $0x3  }
0x9c: {  	_ =	strace s4  }
0x9d: {  	_ =	strace $0x8FFFFFFF  }
0x9e: {  	s19 =	sld [smem:$0x3FDB];
	_ =	sdelay $0x1  }
0x9f: {  	s5 =	simm.s32 $_scs_section_size  }
0xa0: {  	s6 =	simm.s32 $_size__tile_overlayer_lowered;
	s7 =	simm.s32 $_tile_overlayer_lowered  }
0xa1: {  	s22 =	simm.s32 $0x1BFF;
	s21 =	sshll.u32 s7, $0x1;
	s4 =	sadd.s32 s5, s19  }
0xa2: {  	s8 =	simm.s32 $0x0;
	s20 =	sshll.u32 s6, $0x1;
	s6 =	sadd.s32 s21, s4  }
0xa3: {  	[timem:s8], [sflag:s22] =	dma.local [hbm:s6], s20  }
0xa4: {  	_ =	swait.ge [sflag:s22], s20  }
0xa5: {  	s5 =	ssub.s32 $0x0, s20;
	[sflag:s22] =	ssyncset.done $0x0  }
0xa6: {  	[sflag:s22] =	ssyncadd.s32 s5;
	_ =	sdelay $0x1  }
0xa7: {  	s23 =	simm.s32 $0x1B8B  }
0xa8: {  	_ =	swait.ge [sflag:s23], $0x1  }
0xa9: {  	[sflag:s23] =	ssyncset.done $0x0  }
0xaa: {  	s25 =	simm.s32 $0x1B8E;
	s24 =	sld [smem:$0x3FFE];
	[sflag:s23] =	ssyncadd.s32 $0xFFFFFFFF  }
0xab: {  	s26 =	simm.s32 $execute0_lowered;
	[smem:$0x3FD2] =	sst s25  }
0xac: {  	s6 =	sshll.u32 s26, $0x1;
	_ =	strace $0x8000004C;
	[dreg:$0x1] =	wrdreg $0xFFFFFFFF  }
0xad: {  	s28 =	simm.s32 $_size_execute0_lowered;
	s4 =	sadd.s32 s4, s6;
	[dreg:$0x0] =	wrdreg $0x0  }
0xae: {  	s6 =	sshll.u32 s28, $0x1;
	[dreg:$0x2] =	wrdreg s4  }
0xaf: {  	[dreg:$0x3] =	wrdreg s6  }
0xb0: {  	[dreg:$0x4] =	wrdreg $0xC0  }
0xb1: {  	_ =	task [dreg:s8], $0x5FFFF  }
0xb2: {  	[dreg:$0x1] =	wrdreg $0xFFFFFFFF  }
0xb3: {  	[dreg:$0x0] =	wrdreg $0x60  }
0xb4: {  	[dreg:$0x2] =	wrdreg s24  }
0xb5: {  	[dreg:$0x3] =	wrdreg s16  }
0xb6: {  	[dreg:$0x4] =	wrdreg s17  }
0xb7: {  	[dreg:$0x5] =	wrdreg $0x140000  }
0xb8: {  	[dreg:$0x6] =	wrdreg $0x9  }
0xb9: {  	_ =	task.clear_ibuf [dreg:s8], $0x7FFFF;
	_ =	strace $0x9000004C  }
0xba: {  	s29 =	simm.s32 $0x9;
	_ =	strace $0x8000004E  }
0xbb: {  	_ =	swait.ge [sflag:s29], $0x1  }
0xbc: {  	[sflag:s29] =	ssyncadd.s32 $0xFFFFFFFF  }
0xbd: {  	_ =	strace $0x9000004E  }
0xbe: {  	_ =	sfence  }
0xbf: {  	s30 =	sld [smem:$0x0];
	_ =	sdelay $0x2  }
0xc0: {  	s31 =	sshll.u32 s1, $0xD;
	s1 =	sshrl.u32 s1, $0x2  }
0xc1: {  	s3 =	sand.u32 $0x4000, s31;
	s1 =	sadd.s32 s1, s30  }
0xc2: {  	s0 =	sor.u32 s3, s0;
	s1 =	sshll.u32 s1, $0x11  }
0xc3: {  	s0 =	sor.u32 s1, s0  }
0xc4: {  	s0 =	sadd.s32 $0x8F2B, s0  }
0xc5: {  	[sflag:s0] =	ssyncadd.remote.s32 $0x1  }
0xc6: {  	_ =	sfence.sel $0xFFFF  }
0xc7: {  	[dreg:$0x0] =	wrdreg $0xFFFFFFFF;
	(pc) =	sbr.abs _section_cstart, $3  }
0xc8: {  	[dreg:$0x1] =	wrdreg $0xFFFFFFFF  }
0xc9: {  	_ =	task.clear_ibuf [dreg:s8], $0x2FFFF;
	_ =	strace $0x9FFFFFFF  }
0xca: {  	(tm) =	ssettm $0x7FFFFFFF  }
0xcb: {  	_ =	shalt  }
tec
execute0_lowered:
.L_overlay_start_1:
0x0: {  	(tag) =	ssettag $0x1  }
0x1: {  	s6 =	rddreg [dreg:$0x0]  }
0x2: {  	s7 =	rddreg [dreg:$0x1]  }
0x3: {  	s2 =	rddreg [dreg:$0x2];
	s0 =	srdreg.scid  }
0x4: {  	s3 =	rddreg [dreg:$0x3];
	s1 =	stileid.u32;
	s4 =	simm.s32 $0x0  }
0x5: {  	s15 =	simm.s32 $0x180;
	s16 =	simm.s32 $0xE000;
	s17 =	simm.s32 $0x100  }
0x6: {  	s18 =	simm.s32 $0xA000;
	s19 =	simm.s32 $0x1;
	s9 =	smul.u32 $0x5000, s1  }
0x7: {  	s20 =	simm.s32 $0x2;
	s21 =	simm.s32 $0x0;
	s10 =	smul.u32 $0xA000, s1  }
0x8: {  	s8 =	sand.u32 $0x1, s0;
	s0 =	rddreg [dreg:$0x4];
	s12 =	smul.u32 $0x600, s1  }
0x9: {  	[smem:$0x7FF] =	sst s4;
	s30 =	sshll.u32 s1, $0xA;
	s5 =	smul.u32 $0x50000, s8  }
0xa: {  	s31 =	sshll.u32 s1, $0x6;
	_ =	strace $0x8000004D;
	s11 =	smul.u32 $0xA0000, s8  }
0xb: {  	s8 =	ssub.s32 $0x2, s8;
	s7 =	sadd.s32 s7, s30;
	s12 =	sadd.s32 s12, s6  }
0xc: {  	s13 =	sshrl.u32 s8, $0x1;
	s14 =	sadd.s32 s10, s3;
	s9 =	sadd.s32 s9, s5  }
0xd: {  	s5 =	sadd.s32 $0xBD400, s6;
	s11 =	sadd.s32 s10, s11;
	s13 =	ssub.s32 s8, s13  }
0xe: {  	s8 =	sadd.s32 $0x17400, s12;
	s12 =	simm.s32 $0x5000;
	s14 =	sshrl.u32 s14, $0x3  }
0xf: {  	s9 =	sshrl.u32 s9, $0x3;
	s11 =	sshrl.u32 s11, $0x3;
	s10 =	smax.u32 s13, $0x1  }
0x10: {  	s13 =	sor.u32 $0x1C03, s31;
	s9 =	sadd.s32 s9, s6;
	s11 =	sadd.s32 s11, s6  }
0x11: {  	s6 =	sadd.s32 $0x3400, s9;
	s9 =	sadd.s32 $0xE5400, s11;
	s11 =	simm.s32 $0x3  }
.LBB2_1:
0x12: {  	[tilespmem:s4], [sflag:$0x3] =	stream.linear.gather [hbm4b:s6+s4], $0x5000, $0x38;
	[tilespmem:$0x1E000] =	vst v63  }
0x13: {  	_ =	swait.ge [sflag:s11], $0x5000  }
0x14: {  	[sflag:s11] =	ssyncset.done $0x0  }
0x15: {  	[sflag:s11] =	ssyncadd.s32 $0xFFFFB000  }
0x16: {  	[tilespmem:s12], [sflag:$0x3] =	stream.linear.gather [hbm4b:s7+s4], $0x2000, $0x38;
	[tilespmem:$0x1E000] =	vst v63  }
0x17: {  	_ =	swait.ge [sflag:s11], $0x2000  }
0x18: {  	[sflag:s11] =	ssyncset.done $0x0  }
0x19: {  	s22 =	simm.s32 $0x7000;
	[sflag:s11] =	ssyncadd.s32 $0xFFFFE000  }
0x1a: {  	[tilespmem:s22], [sflag:$0x3] =	stream.linear.gather [hbm4b:s8+s4], $0x3000, $0x38;
	[tilespmem:$0x1E000] =	vst v63  }
0x1b: {  	_ =	swait.ge [sflag:s11], $0x3000  }
0x1c: {  	[sflag:s11] =	ssyncset.done $0x0  }
0x1d: {  	[sflag:s11] =	ssyncadd.s32 $0xFFFFD000  }
0x1e: {  	[spmem:s14], [sflag:s13] =	dma.local [hbm:s2], $0x1400  }
0x1f: {  	_ =	swait.ge [sflag:s11], $0x1400  }
0x20: {  	[sflag:s11] =	ssyncset.done $0x0  }
0x21: {  	[sflag:s11] =	ssyncadd.s32 $0xFFFFEC00  }
0x22: {  	[bflag:$0x0] =	sbarrier.arrive $0xFFFF  }
0x23: {  	[tilespmem:s16], [sflag:$0x1] =	stream.indirect.gather [hbm4b:s5+s15], $0x40, s17, s15, $0xb8;
	[tilespmem:$0x1E000] =	vst v63  }
0x24: {  	s23 =	simm.s32 $0x0  }
0x25: {  	[tilespmem:s18], [sflag:$0x3] =	stream.indirect.gather [hbm4b:s5+s17], $0x40, s23, s17, $0xb8;
	[tilespmem:$0x1E000] =	vst v63  }
0x26: {  	_ =	swait.ge [sflag:s11], $0x4000  }
0x27: {  	[sflag:s11] =	ssyncset.done $0x0  }
0x28: {  	s31 =	simm.s32 $0x5000;
	[sflag:s11] =	ssyncadd.s32 $0xFFFFC000  }
0x29: {  	[spmem:s3] =	stream.indirect.scatter.add.f32 [tilespmem:s18], [sflag:$0x2], $0x40, s31, s17, $0xb8;
	[tilespmem:$0x1E000] =	vst v63  }
0x2a: {  	_ =	swait.ge [sflag:s19], $0x6000  }
0x2b: {  	[sflag:s19] =	ssyncset.done $0x0  }
0x2c: {  	[sflag:s19] =	ssyncadd.s32 $0xFFFFA000  }
0x2d: {  	[spmem:s3] =	stream.indirect.scatter.add.f32 [tilespmem:s16], [sflag:$0x3], $0x40, s22, s15, $0xb8;
	[tilespmem:$0x1E000] =	vst v63  }
0x2e: {  	_ =	swait.ge [sflag:s11], $0x6000  }
0x2f: {  	[sflag:s11] =	ssyncset.done $0x0  }
0x30: {  	[sflag:s11] =	ssyncadd.s32 $0xFFFFA000  }
0x31: {  	_ =	swait.ge [sflag:s20], $0x4000  }
0x32: {  	s24 =	simm.s32 $0x100;
	s23 =	simm.s32 $0x400;
	[sflag:s20] =	ssyncset.done $0x0  }
.LBB2_2:
0x33: {  	[sflag:s20] =	ssyncadd.s32 $0xFFFFC000  }
0x34: {  	s22 =	sadd.s32 $0x180, s22;
	s24 =	sadd.s32 $0x280, s24;
	s25 =	smov.u32 s23  }
0x35: {  	[tilespmem:s16], [sflag:$0x1] =	stream.indirect.gather [hbm4b:s5+s15], $0x40, s24, s15, $0xb8;
	[tilespmem:$0x1E000] =	vst v63  }
0x36: {  	p0 =	sne.s32 s23, $0x7C00;
	s23 =	sadd.s32 $0x400, s23;
	s26 =	sadd.s32 $0xFFFFFF00, s24  }
0x37: {  	[tilespmem:s18], [sflag:$0x3] =	stream.indirect.gather [hbm4b:s5+s17], $0x40, s26, s17, $0xb8;
	[tilespmem:$0x1E000] =	vst v63  }
0x38: {  	_ =	swait.ge [sflag:s11], $0x4000  }
0x39: {  	s25 =	sshra.s32 s25, $0x2;
	[sflag:s11] =	ssyncset.done $0x0  }
0x3a: {  	s25 =	sadd.s32 $0x5000, s25;
	[sflag:s11] =	ssyncadd.s32 $0xFFFFC000  }
0x3b: {  	[spmem:s3] =	stream.indirect.scatter.add.f32 [tilespmem:s18], [sflag:$0x2], $0x40, s25, s17, $0xb8;
	[tilespmem:$0x1E000] =	vst v63  }
0x3c: {  	_ =	swait.ge [sflag:s19], $0x6000  }
0x3d: {  	[sflag:s19] =	ssyncset.done $0x0  }
0x3e: {  	[sflag:s19] =	ssyncadd.s32 $0xFFFFA000  }
0x3f: {  	[spmem:s3] =	stream.indirect.scatter.add.f32 [tilespmem:s16], [sflag:$0x3], $0x40, s22, s15, $0xb8;
	[tilespmem:$0x1E000] =	vst v63  }
.Ltmp0:
0x40: {  	_ =	swait.ge [sflag:s11], $0x6000;
	(pc) =	sbr.rel @p0 .LBB2_2-.Ltmp0, $4  }
0x41: {  	[sflag:s11] =	ssyncset.done $0x0  }
0x42: {  	[sflag:s11] =	ssyncadd.s32 $0xFFFFA000  }
0x43: {  	_ =	swait.ge [sflag:s20], $0x4000  }
0x44: {  	[sflag:s20] =	ssyncset.done $0x0  }
0x45: {  	s21 =	sadd.s32 $0x1, s21  }
0x46: {  	[sflag:s20] =	ssyncadd.s32 $0xFFFFC000;
	p0 =	sne.s32 s21, s10  }
.Ltmp1:
0x47: {  	[bflag:$0x0] =	sbarrier.arrive $0xFFFF;
	(pc) =	sbr.rel @p0 .LBB2_1-.Ltmp1, $4  }
0x48: {  	[hbm:s9], [sflag:s13] =	dma.local [spmem:s14], $0x1400  }
0x49: {  	_ =	swait.ge [sflag:s11], $0x1400  }
0x4a: {  	[sflag:s11] =	ssyncset.done $0x0  }
0x4b: {  	[sflag:s11] =	ssyncadd.s32 $0xFFFFEC00  }
0x4c: {  	_ =	sfence.sel $0x180000  }
0x4d: {  	[bflag:$0x0] =	sbarrier.arrive $0xFFFF  }
0x4e: {  	p0 =	sne.s32 s1, $0x0;
	_ =	strace $0x9000004D  }
0x4f: {  	s0 =	sadd.s32 @!p0 $0x100000, s0;
	[bflag:$0x2] =	sbarrier.arrive $0xFFFF  }
0x50: {  	[sflag:s0] =	ssyncadd.tile.s32 @!p0 $0x1;
	_ =	shalt  }
.Lfunc_end2:
_tile_overlayer_lowered:
.L_overlay_start_2:
0x51: {  	(tag) =	ssettag $0x2  }
0x52: {  	s0 =	rddreg [dreg:$0x0];
	s2 =	stileid.u32  }
0x53: {  	s1 =	rddreg [dreg:$0x1];
	p0 =	sne.s32 s2, $0x0  }
0x54: {  	s3 =	rddreg [dreg:$0x2];
	[bflag:$0x3] =	sbarrier.arrive $0xFFFF;
	s2 =	simm.s32 @!p0 $0x1C03  }
0x55: {  	[timem:s3], [sflag:s2] =	dma.local @!p0 [hbm:s0], s1  }
0x56: {  	s0 =	simm.s32 @!p0 $0x3  }
0x57: {  	_ =	swait.ge @!p0 [sflag:s0], s1  }
0x58: {  	s1 =	ssub.s32 @!p0 $0x0, s1;
	[sflag:s0] =	ssyncset.done @!p0 $0x0  }
0x59: {  	[sflag:s0] =	ssyncadd.s32 @!p0 s1  }
0x5a: {  	[bflag:$0x3] =	sbarrier.arrive $0xFFFF  }
0x5b: {  	_ =	shalt  }

// kernel: kernel.8.cloned.1.call-start
scs
__scs_entry_jumppad:
0x0: {  	(pc) =	sbr.rel $0x88, $3  }
0x1: {  	(tag) =	ssettag $0x0;
	lr =	simm.s32 $0x1  }
0x2: {  	[smem:$0x3F99] =	sst lr;
	_ =	strace $0xD0000000  }
0x3: {  	_ = 	snop  }
0x4: {  	_ = 	snop  }
0x5: {  	_ = 	snop  }
0x6: {  	_ = 	snop  }
0x7: {  	_ = 	snop  }
__scs_overlays_trampoline_lowered:
0x8: {  	[smem:$0x3FA8] =	sst s0  }
0x9: {  	[smem:$0x3FA9] =	sst s1  }
0xa: {  	[smem:$0x3FAA] =	sst s2  }
0xb: {  	[smem:$0x3FAB] =	sst s3  }
0xc: {  	[smem:$0x3FAC] =	sst s4  }
0xd: {  	[smem:$0x3FAD] =	sst s5  }
0xe: {  	[smem:$0x3FAE] =	sst s6  }
0xf: {  	[smem:$0x3FAF] =	sst s7  }
0x10: {  	[smem:$0x3FB0] =	sst s8  }
0x11: {  	[smem:$0x3FB1] =	sst s9;
	s0 =	simm.s32 @!p0 $0x0  }
0x12: {  	s1 =	sld [smem:$0x3F97];
	s0 =	simm.s32 @p0 $0x1  }
0x13: {  	[smem:$0x3FB2] =	sst s0;
	s0 =	simm.s32 @!p1 $0x0  }
0x14: {  	s2 =	sld [smem:$0x3F96];
	s0 =	simm.s32 @p1 $0x1  }
0x15: {  	[smem:$0x3FB3] =	sst s0;
	s0 =	simm.s32 @!p2 $0x0  }
0x16: {  	s3 =	sld [smem:$0x3FDB];
	s0 =	simm.s32 @p2 $0x1  }
0x17: {  	s4 =	simm.s32 $0x1BF5;
	[smem:$0x3FB5] =	sst s0  }
0x18: {  	s0 =	sld [smem:$0x3F98];
	_ =	swait.ge [sflag:s4], $0x0  }
0x19: {  	s7 =	sld [smem:$0x3F99]  }
0x1a: {  	s8 =	sadd.s32 $0xFFFFE003, lr  }
0x1b: {  	s9 =	sadd.s32 $0xFFFFFEF7, lr;
	s5 =	simm.s32 $0xFFFFFFFF;
	p2 =	slt.u32 s8, $0xFFFFF086  }
0x1c: {  	p1 =	slt.u32 s9, $0xF7A;
	s5 =	simm.s32 @!p2 $0x0  }
0x1d: {  	s5 =	simm.s32 @p1 $0x1;
	p0 =	seq.s32 s7, s2  }
0x1e: {  	s7 =	smul.u32 @!p0 $0xF7A, s2;
	p2 =	seq.s32 @!p0 s5, $0x0  }
0x1f: {  	s9 =	smul.u32 $0xF7A, s1;
	s8 =	simm.s32 @!p0 $0x1BF5;
	p2 =	por !p2, p0  }
0x20: {  	[sflag:s8] =	ssyncset.s32 @!p0 $0xFFFFF086;
	s6 =	sadd.s32 @!p0 s3, s7;
	s7 =	simm.s32 @!p0 $0x108  }
0x21: {  	s3 =	sadd.s32 s3, s9;
	s6 =	sadd.s32 @!p0 $0x88, s6;
	s7 =	simm.s32 @p2 $0x1082  }
0x22: {  	[simem:s7], [sflag:s8] =	dma.local @!p0 [hbm:s6], $0xF7A  }
0x23: {  	s9 =	sor.u32 $0xD0000000, s2;
	s6 =	simm.s32 $0x108;
	_ =	swait.ge @!p0 [sflag:s8], $0x0  }
0x24: {  	s3 =	sadd.s32 $0x88, s3;
	s6 =	simm.s32 @!p1 $0x1082;
	[sflag:s4] =	ssyncset.s32 $0xFFFFF086  }
0x25: {  	[simem:s6], [sflag:s4] =	dma.local [hbm:s3], $0xF7A  }
0x26: {  	[smem:$0x3F99] =	sst s1;
	(tag) =	ssettag s2;
	_ =	strace s9  }
0x27: {  	s1 =	sld [smem:$0x3FA9]  }
0x28: {  	s2 =	sld [smem:$0x3FAA]  }
0x29: {  	s4 =	sld [smem:$0x3FAC]  }
0x2a: {  	p0 =	seq.s32 s5, $0x0;
	s5 =	sld [smem:$0x3FAD]  }
0x2b: {  	s6 =	sld [smem:$0x3FAE]  }
0x2c: {  	s7 =	sld [smem:$0x3FAF]  }
0x2d: {  	s3 =	simm.s32 $0x108;
	s8 =	sld [smem:$0x3FB0]  }
0x2e: {  	s3 =	simm.s32 @!p0 $0x1082;
	s9 =	sld [smem:$0x3FB1]  }
0x2f: {  	lr =	sadd.s32 s0, s3;
	s0 =	sld [smem:$0x3FA8]  }
0x30: {  	s3 =	sld [smem:$0x3FAB]  }
0x31: {  	[smem:$0x3FB4] =	sst s10  }
0x32: {  	s10 =	sld [smem:$0x3FB2];
	_ =	sdelay $0x3  }
0x33: {  	p0 =	seq.s32 s10, $0x1;
	s10 =	sld [smem:$0x3FB4];
	_ =	sdelay $0x3  }
0x34: {  	[smem:$0x3FB4] =	sst s10  }
0x35: {  	s10 =	sld [smem:$0x3FB3];
	_ =	sdelay $0x3  }
0x36: {  	p1 =	seq.s32 s10, $0x1;
	s10 =	sld [smem:$0x3FB4];
	_ =	sdelay $0x3  }
0x37: {  	[smem:$0x3FB4] =	sst s10  }
0x38: {  	s10 =	sld [smem:$0x3FB5]  }
0x39: {  	_ = 	snop;
	(pc) =	sbr.ind lr, $3  }
0x3a: {  	_ = 	snop  }
0x3b: {  	_ = 	snop  }
0x3c: {  	p2 =	seq.s32 s10, $0x1;
	s10 =	sld [smem:$0x3FB4]  }
0x3d: {  	_ =	shalt  }
0x3e: {  	_ =	shalt  }
0x3f: {  	_ =	shalt  }
0x40: {  	_ =	shalt  }
0x41: {  	_ =	shalt  }
0x42: {  	_ =	shalt  }
0x43: {  	_ =	shalt  }
0x44: {  	_ =	shalt  }
0x45: {  	_ =	shalt  }
0x46: {  	_ =	shalt  }
0x47: {  	_ =	shalt  }
0x48: {  	_ =	shalt  }
0x49: {  	_ =	shalt  }
0x4a: {  	_ =	shalt  }
0x4b: {  	_ =	shalt  }
0x4c: {  	_ =	shalt  }
0x4d: {  	_ =	shalt  }
0x4e: {  	_ =	shalt  }
0x4f: {  	_ =	shalt  }
0x50: {  	_ =	shalt  }
0x51: {  	_ =	shalt  }
0x52: {  	_ =	shalt  }
0x53: {  	_ =	shalt  }
0x54: {  	_ =	shalt  }
0x55: {  	_ =	shalt  }
0x56: {  	_ =	shalt  }
0x57: {  	_ =	shalt  }
0x58: {  	_ =	shalt  }
0x59: {  	_ =	shalt  }
0x5a: {  	_ =	shalt  }
0x5b: {  	_ =	shalt  }
0x5c: {  	_ =	shalt  }
0x5d: {  	_ =	shalt  }
0x5e: {  	_ =	shalt  }
0x5f: {  	_ =	shalt  }
0x60: {  	_ =	shalt  }
0x61: {  	_ =	shalt  }
0x62: {  	_ =	shalt  }
0x63: {  	_ =	shalt  }
0x64: {  	_ =	shalt  }
0x65: {  	_ =	shalt  }
0x66: {  	_ =	shalt  }
0x67: {  	_ =	shalt  }
0x68: {  	_ =	shalt  }
0x69: {  	_ =	shalt  }
0x6a: {  	_ =	shalt  }
0x6b: {  	_ =	shalt  }
0x6c: {  	_ =	shalt  }
0x6d: {  	_ =	shalt  }
0x6e: {  	_ =	shalt  }
0x6f: {  	_ =	shalt  }
0x70: {  	_ =	shalt  }
0x71: {  	_ =	shalt  }
0x72: {  	_ =	shalt  }
0x73: {  	_ =	shalt  }
0x74: {  	_ =	shalt  }
0x75: {  	_ =	shalt  }
0x76: {  	_ =	shalt  }
0x77: {  	_ =	shalt  }
0x78: {  	_ =	shalt  }
0x79: {  	_ =	shalt  }
0x7a: {  	_ =	shalt  }
0x7b: {  	_ =	shalt  }
0x7c: {  	_ =	shalt  }
0x7d: {  	_ =	shalt  }
0x7e: {  	_ =	shalt  }
0x7f: {  	_ =	shalt  }
0x80: {  	_ =	shalt  }
0x81: {  	_ =	shalt  }
0x82: {  	_ =	shalt  }
0x83: {  	_ =	shalt  }
0x84: {  	_ =	shalt  }
0x85: {  	_ =	shalt  }
0x86: {  	_ =	shalt  }
0x87: {  	_ =	shalt  }
.Lfunc_end0:
.L_simem_size_0:
called_computation_lowered:
.L_overlay_start_0:
0x88: {  	s2 =	sld [smem:$0x3FD9]  }
0x89: {  	s3 =	sld [smem:$0x3FFE];
	_ =	sdelay $0x1  }
0x8a: {  	s1 =	srdreg.scid  }
0x8b: {  	s0 =	sand.u32 $0x1, s1  }
0x8c: {  	s14 =	sshll.u32 s0, $0xA;
	s2 =	sadd.s32 s3, s2  }
0x8d: {  	s2 =	sadd.s32 s2, s14  }
0x8e: {  	[smem:$0x3FC0] =	sst s2  }
0x8f: {  	_ = 	snop  }
0x90: {  	s2 =	sld [smem:$0x3FD0];
	_ =	sdelay $0x2  }
0x91: {  	s15 =	simm.s32 $0xA;
	s4 =	simm.s32 $0x10  }
0x92: {  	[smem:s4], [sflag:s15] =	dma.local [hbm:s2], $0x1  }
0x93: {  	_ =	swait.eq [sflag:s15], $0x1  }
0x94: {  	[sflag:s15] =	ssyncset.done $0x0  }
0x95: {  	s16 =	sld [smem:$0x10];
	[sflag:s15] =	ssyncadd.s32 $0xFFFFFFFF  }
0x96: {  	s17 =	sld [smem:$0x12];
	(tm) =	ssettm $0x1  }
0x97: {  	s18 =	sld [smem:$0x3FFB];
	_ =	sdelay $0x3  }
0x98: {  	_ =	strace s18  }
0x99: {  	s4 =	sld [smem:$0x3FFC];
	_ =	sdelay $0x3  }
0x9a: {  	_ =	strace s4  }
0x9b: {  	s4 =	sld [smem:$0x3FFD];
	_ =	sdelay $0x3  }
0x9c: {  	_ =	strace s4  }
0x9d: {  	_ =	strace $0x8FFFFFFF  }
0x9e: {  	s19 =	sld [smem:$0x3FDB];
	_ =	sdelay $0x1  }
0x9f: {  	s5 =	simm.s32 $_scs_section_size  }
0xa0: {  	s6 =	simm.s32 $_size__tile_overlayer_lowered;
	s7 =	simm.s32 $_tile_overlayer_lowered  }
0xa1: {  	s22 =	simm.s32 $0x1BFF;
	s21 =	sshll.u32 s7, $0x1;
	s4 =	sadd.s32 s5, s19  }
0xa2: {  	s8 =	simm.s32 $0x0;
	s20 =	sshll.u32 s6, $0x1;
	s6 =	sadd.s32 s21, s4  }
0xa3: {  	[timem:s8], [sflag:s22] =	dma.local [hbm:s6], s20  }
0xa4: {  	_ =	swait.ge [sflag:s22], s20  }
0xa5: {  	s5 =	ssub.s32 $0x0, s20;
	[sflag:s22] =	ssyncset.done $0x0  }
0xa6: {  	[sflag:s22] =	ssyncadd.s32 s5;
	_ =	sdelay $0x1  }
0xa7: {  	s23 =	simm.s32 $0x1B8B  }
0xa8: {  	_ =	swait.ge [sflag:s23], $0x1  }
0xa9: {  	[sflag:s23] =	ssyncset.done $0x0  }
0xaa: {  	s25 =	simm.s32 $0x1B8E;
	s24 =	sld [smem:$0x3FFE];
	[sflag:s23] =	ssyncadd.s32 $0xFFFFFFFF  }
0xab: {  	s26 =	simm.s32 $execute0_lowered;
	[smem:$0x3FD2] =	sst s25  }
0xac: {  	s6 =	sshll.u32 s26, $0x1;
	_ =	strace $0x80000046;
	[dreg:$0x1] =	wrdreg $0xFFFFFFFF  }
0xad: {  	s28 =	simm.s32 $_size_execute0_lowered;
	s4 =	sadd.s32 s4, s6;
	[dreg:$0x0] =	wrdreg $0x0  }
0xae: {  	s6 =	sshll.u32 s28, $0x1;
	[dreg:$0x2] =	wrdreg s4  }
0xaf: {  	[dreg:$0x3] =	wrdreg s6  }
0xb0: {  	[dreg:$0x4] =	wrdreg $0xC0  }
0xb1: {  	_ =	task [dreg:s8], $0x5FFFF  }
0xb2: {  	[dreg:$0x1] =	wrdreg $0xFFFFFFFF  }
0xb3: {  	[dreg:$0x0] =	wrdreg $0x60  }
0xb4: {  	[dreg:$0x2] =	wrdreg s17  }
0xb5: {  	[dreg:$0x3] =	wrdreg s24  }
0xb6: {  	[dreg:$0x4] =	wrdreg s16  }
0xb7: {  	[dreg:$0x5] =	wrdreg $0x58000  }
0xb8: {  	[dreg:$0x6] =	wrdreg $0x9  }
0xb9: {  	_ =	task.clear_ibuf [dreg:s8], $0x7FFFF;
	_ =	strace $0x90000046  }
0xba: {  	s29 =	simm.s32 $0x9;
	_ =	strace $0x80000048  }
0xbb: {  	_ =	swait.ge [sflag:s29], $0x1  }
0xbc: {  	[sflag:s29] =	ssyncadd.s32 $0xFFFFFFFF  }
0xbd: {  	_ =	strace $0x90000048  }
0xbe: {  	_ =	sfence  }
0xbf: {  	s30 =	sld [smem:$0x0];
	_ =	sdelay $0x2  }
0xc0: {  	s31 =	sshll.u32 s1, $0xD;
	s1 =	sshrl.u32 s1, $0x2  }
0xc1: {  	s3 =	sand.u32 $0x4000, s31;
	s1 =	sadd.s32 s1, s30  }
0xc2: {  	s0 =	sor.u32 s3, s0;
	s1 =	sshll.u32 s1, $0x11  }
0xc3: {  	s0 =	sor.u32 s1, s0  }
0xc4: {  	s0 =	sadd.s32 $0x8F2B, s0  }
0xc5: {  	[sflag:s0] =	ssyncadd.remote.s32 $0x1  }
0xc6: {  	_ =	sfence.sel $0xFFFF  }
0xc7: {  	[dreg:$0x0] =	wrdreg $0xFFFFFFFF;
	(pc) =	sbr.abs _section_cstart, $3  }
0xc8: {  	[dreg:$0x1] =	wrdreg $0xFFFFFFFF  }
0xc9: {  	_ =	task.clear_ibuf [dreg:s8], $0x2FFFF;
	_ =	strace $0x9FFFFFFF  }
0xca: {  	(tm) =	ssettm $0x7FFFFFFF  }
0xcb: {  	_ =	shalt  }
tec
execute0_lowered:
.L_overlay_start_1:
0x0: {  	(tag) =	ssettag $0x1  }
0x1: {  	s6 =	rddreg [dreg:$0x0]  }
0x2: {  	s5 =	rddreg [dreg:$0x1]  }
0x3: {  	s8 =	rddreg [dreg:$0x2]  }
0x4: {  	s2 =	rddreg [dreg:$0x3]  }
0x5: {  	s0 =	rddreg [dreg:$0x4]  }
0x6: {  	s3 =	simm.s32 $0x0;
	s4 =	srdreg.scid;
	s1 =	stileid.u32  }
0x7: {  	s13 =	simm.s32 $0x80;
	s16 =	simm.s32 $0x0;
	[smem:$0x7FF] =	sst s3  }
0x8: {  	s7 =	sand.u32 $0x1, s4;
	s9 =	smul.u32 $0x2800, s1;
	s10 =	sshll.u32 s1, $0x1  }
0x9: {  	s4 =	sadd.s32 $0x3200, s5;
	s5 =	sadd.s32 $0x2C00, s5;
	s14 =	sshll.u32 s1, $0x6  }
0xa: {  	s11 =	smul.u32 $0x28000, s7;
	s12 =	ssub.s32 $0x2, s7;
	s7 =	sor.u32 s7, s10  }
0xb: {  	_ =	strace $0x80000047;
	s31 =	sshrl.u32 s12, $0x1;
	s7 =	smul.u32 $0x500, s7  }
0xc: {  	s14 =	sor.u32 $0x1C01, s14;
	s11 =	sadd.s32 s9, s11;
	s10 =	ssub.s32 s12, s31  }
0xd: {  	s12 =	simm.s32 $0x3000;
	s11 =	sshrl.u32 s11, $0x3;
	s6 =	sadd.s32 s6, s7  }
0xe: {  	s7 =	sadd.s32 s9, s2;
	s9 =	smax.u32 s10, $0x1;
	s10 =	simm.s32 $0x1  }
0xf: {  	s8 =	sadd.s32 s8, s11;
	s11 =	simm.s32 $0x2800;
	s15 =	sshrl.u32 s7, $0x3  }
.LBB2_1:
0x10: {  	[tilespmem:s3], [sflag:$0x1] =	stream.linear.gather [hbm4b:s6+s3], $0x2800, $0x38;
	[tilespmem:$0x8000] =	vst v63  }
0x11: {  	_ =	swait.ge [sflag:s10], $0x2800  }
0x12: {  	[sflag:s10] =	ssyncset.done $0x0  }
0x13: {  	[sflag:s10] =	ssyncadd.s32 $0xFFFFD800  }
0x14: {  	[tilespmem:s11], [sflag:$0x1] =	stream.linear.gather [hbm4b:s4+s3], $0x800, $0x38;
	[tilespmem:$0x8000] =	vst v63  }
0x15: {  	_ =	swait.ge [sflag:s10], $0x800  }
0x16: {  	[sflag:s10] =	ssyncset.done $0x0  }
0x17: {  	[sflag:s10] =	ssyncadd.s32 $0xFFFFF800  }
0x18: {  	[tilespmem:s12], [sflag:$0x1] =	stream.linear.gather [hbm4b:s5+s3], $0x2800, $0x38;
	[tilespmem:$0x8000] =	vst v63  }
0x19: {  	_ =	swait.ge [sflag:s10], $0x2800  }
0x1a: {  	[sflag:s10] =	ssyncset.done $0x0  }
0x1b: {  	[sflag:s10] =	ssyncadd.s32 $0xFFFFD800  }
0x1c: {  	[spmem:s7] =	stream.linear.scatter [tilespmem:s12], [sflag:$0x1], $0x2800, $0x38;
	[tilespmem:$0x8000] =	vst v63  }
0x1d: {  	_ =	swait.ge [sflag:s10], $0x2800  }
0x1e: {  	[sflag:s10] =	ssyncset.done $0x0  }
0x1f: {  	[sflag:s10] =	ssyncadd.s32 $0xFFFFD800  }
0x20: {  	s17 =	simm.s32 $0x0;
	[bflag:$0x0] =	sbarrier.arrive $0xFFFF  }
0x21: {  	[spmem:s2] =	stream.indirect.scatter.add.f32 [tilespmem:s11], [sflag:$0x1], $0x10, s17, s13, $0xb8;
	[tilespmem:$0x8000] =	vst v63  }
0x22: {  	_ =	swait.ge [sflag:s10], $0x800  }
0x23: {  	s17 =	simm.s32 $0x200;
	[sflag:s10] =	ssyncset.done $0x0  }
.LBB2_2:
0x24: {  	s18 =	sshra.s32 s17, $0x2;
	[sflag:s10] =	ssyncadd.s32 $0xFFFFF800;
	p0 =	sne.s32 s17, $0x9E00  }
0x25: {  	[spmem:s2] =	stream.indirect.scatter.add.f32 [tilespmem:s11], [sflag:$0x1], $0x10, s18, s13, $0xb8;
	[tilespmem:$0x8000] =	vst v63  }
.Ltmp0:
0x26: {  	_ = 	snop;
	(pc) =	sbr.rel @p0 .LBB2_2-.Ltmp0, $4  }
0x27: {  	_ = 	snop  }
0x28: {  	s17 =	sadd.s32 $0x200, s17  }
0x29: {  	_ =	swait.ge [sflag:s10], $0x800  }
0x2a: {  	[sflag:s10] =	ssyncset.done $0x0  }
0x2b: {  	s16 =	sadd.s32 $0x1, s16  }
0x2c: {  	[sflag:s10] =	ssyncadd.s32 $0xFFFFF800;
	p0 =	sne.s32 s16, s9  }
.Ltmp1:
0x2d: {  	[bflag:$0x0] =	sbarrier.arrive $0xFFFF;
	(pc) =	sbr.rel @p0 .LBB2_1-.Ltmp1, $4  }
0x2e: {  	[hbm:s8], [sflag:s14] =	dma.local [spmem:s15], $0x500  }
0x2f: {  	_ =	swait.ge [sflag:s10], $0x500  }
0x30: {  	[sflag:s10] =	ssyncset.done $0x0  }
0x31: {  	[sflag:s10] =	ssyncadd.s32 $0xFFFFFB00  }
0x32: {  	_ =	sfence.sel $0x180000  }
0x33: {  	[bflag:$0x0] =	sbarrier.arrive $0xFFFF  }
0x34: {  	p0 =	sne.s32 s1, $0x0;
	_ =	strace $0x90000047  }
0x35: {  	s0 =	sadd.s32 @!p0 $0x100000, s0;
	[bflag:$0x2] =	sbarrier.arrive $0xFFFF  }
0x36: {  	[sflag:s0] =	ssyncadd.tile.s32 @!p0 $0x1;
	_ =	shalt  }
.Lfunc_end2:
_tile_overlayer_lowered:
.L_overlay_start_2:
0x37: {  	(tag) =	ssettag $0x2  }
0x38: {  	s0 =	rddreg [dreg:$0x0];
	s2 =	stileid.u32  }
0x39: {  	s1 =	rddreg [dreg:$0x1];
	p0 =	sne.s32 s2, $0x0  }
0x3a: {  	s3 =	rddreg [dreg:$0x2];
	[bflag:$0x3] =	sbarrier.arrive $0xFFFF;
	s2 =	simm.s32 @!p0 $0x1C01  }
0x3b: {  	[timem:s3], [sflag:s2] =	dma.local @!p0 [hbm:s0], s1  }
0x3c: {  	s0 =	simm.s32 @!p0 $0x1  }
0x3d: {  	_ =	swait.ge @!p0 [sflag:s0], s1  }
0x3e: {  	s1 =	ssub.s32 @!p0 $0x0, s1;
	[sflag:s0] =	ssyncset.done @!p0 $0x0  }
0x3f: {  	[sflag:s0] =	ssyncadd.s32 @!p0 s1  }
0x40: {  	[bflag:$0x3] =	sbarrier.arrive $0xFFFF  }
0x41: {  	_ =	shalt  }

</sc_bundles>
